<compile_context>
chip_gen: v7x
topology: tpu7x:2x2x1
jax: 0.10.2.dev20260603
libtpu: 0.0.44.dev20260713+nightly
codegen_flags: <defaults>
</compile_context>

<pallas_src>
import jax
import jax.numpy as jnp
from jax import lax
from jax.experimental import pallas as pl
from jax.experimental.pallas import tpu as pltpu

_B, _N, _E, _C = 8, 10000, 512, 128
_TN = 1000
_NT = _N // _TN
_BC = _B * _C


def _acc_mask(s, col):
    r = lax.broadcasted_iota(jnp.int32, (8, 128), 0)
    c = lax.broadcasted_iota(jnp.int32, (8, 128), 1)
    return jnp.where((r == 0) & (c == col), s, 0.0)


def _v2e_body(x_ref, h_ref, w1_ref, b1_ref, w2_ref, b2_ref,
              xr_ref, he_ref, he2_ref, de_ref):
    n = pl.program_id(0)
    b = pl.program_id(1)
    nt = pl.num_programs(0)
    nb = pl.num_programs(1)
    xt = jnp.dot(x_ref[0], w1_ref[...], preferred_element_type=jnp.float32) + b1_ref[...]
    y = jnp.dot(xt, w2_ref[...], preferred_element_type=jnp.float32) + b2_ref[...]
    xr_ref[...] = xt
    h = h_ref[...]
    hb = h.astype(jnp.bfloat16)
    che = lax.dot_general(hb, xt.astype(jnp.bfloat16), (((0,), (0,)), ((), ())),
                          preferred_element_type=jnp.float32)
    che2 = lax.dot_general(hb, y.astype(jnp.bfloat16), (((0,), (0,)), ((), ())),
                           preferred_element_type=jnp.float32)
    sl = pl.ds(pl.multiple_of(b * _C, _C), _C)

    @pl.when(n == 0)
    def _():
        he_ref[:, sl] = che
        he2_ref[:, sl] = che2

    @pl.when(n > 0)
    def _():
        he_ref[:, sl] += che
        he2_ref[:, sl] += che2

    @pl.when(b == 0)
    def _():
        dcol = jnp.sum(h, axis=0, keepdims=True)

        @pl.when(n == 0)
        def _():
            de_ref[...] = dcol

        @pl.when(n > 0)
        def _():
            de_ref[...] += dcol

    @pl.when((n == nt - 1) & (b == nb - 1))
    def _():
        de = de_ref[...]
        inv_de = jnp.where(de > 0, 1.0 / jnp.maximum(de, 1.0), 0.0)
        he2_ref[...] = he2_ref[...] * inv_de.T


def _e2v_body(h_ref, xr_ref, he_ref, he2_ref, hei_ref, hej_ref,
              out_ref, lacc_ref):
    n = pl.program_id(0)
    b = pl.program_id(1)
    h = h_ref[...]
    dv = jnp.sum(h, axis=1)
    inv_dv = jnp.where(dv > 0, 1.0 / jnp.maximum(dv, 1.0), 0.0)
    hb = h.astype(jnp.bfloat16)
    recon = jnp.dot(hb, he_ref[...].astype(jnp.bfloat16),
                    preferred_element_type=jnp.float32) * inv_dv[:, None]
    l = jnp.sum(jnp.abs(xr_ref[...] - recon))
    y2 = jnp.dot(hb, he2_ref[...].astype(jnp.bfloat16),
                 preferred_element_type=jnp.float32) * inv_dv[:, None]
    out_ref[0] = jnp.maximum(y2, 0.0)

    @pl.when((n == 0) & (b == 0))
    def _():
        lacc_ref[...] = jnp.zeros_like(lacc_ref)

    lacc_ref[...] += _acc_mask(l, 0)

    @pl.when((n < _B) & (b >= n))
    def _():
        hei = hei_ref[...]
        hej = hej_ref[...]
        g = lax.dot_general(hei, hej, (((1,), (1,)), ((), ())),
                            preferred_element_type=jnp.float32)
        sqi = jnp.sum(hei * hei, axis=1)
        sqj = jnp.sum(hej * hej, axis=1)
        nri = jnp.maximum(jnp.sqrt(sqi), 1e-8)
        nrj = jnp.maximum(jnp.sqrt(sqj), 1e-8)
        sim = g * (1.0 / nri)[:, None] * (1.0 / nrj)[None, :]
        dist = jnp.sqrt(jnp.clip(sqi[:, None] + sqj[None, :] - 2.0 * g,
                                 1e-12, None))
        r = jnp.maximum(4.2 - dist, 0.0)
        item = sim * (dist - r) + r
        w = jnp.where(b == n, 1.0, 2.0)
        lacc_ref[...] += _acc_mask(w * jnp.sum(jnp.abs(item)), 1)


def _build_h(node_idx, edge_idx):
    return jnp.zeros((_N, _E), jnp.float32).at[node_idx, edge_idx].add(1.0)


def kernel(x, node_idx, edge_idx, W1, b1, W2, b2):
    h = _build_h(node_idx, edge_idx)
    b1r = b1.reshape(1, _C)
    b2r = b2.reshape(1, _C)

    xr, he, he2, _de = pl.pallas_call(
        _v2e_body,
        grid=(_NT, _B),
        in_specs=[
            pl.BlockSpec((1, _TN, _C), lambda n, b: (b, n, 0)),
            pl.BlockSpec((_TN, _E), lambda n, b: (n, 0)),
            pl.BlockSpec((_C, _C), lambda n, b: (0, 0)),
            pl.BlockSpec((1, _C), lambda n, b: (0, 0)),
            pl.BlockSpec((_C, _C), lambda n, b: (0, 0)),
            pl.BlockSpec((1, _C), lambda n, b: (0, 0)),
        ],
        out_specs=[
            pl.BlockSpec((_TN, _C), lambda n, b: (n, b)),
            pl.BlockSpec((_E, _BC), lambda n, b: (0, 0)),
            pl.BlockSpec((_E, _BC), lambda n, b: (0, 0)),
            pl.BlockSpec((1, _E), lambda n, b: (0, 0)),
        ],
        out_shape=[
            jax.ShapeDtypeStruct((_N, _BC), jnp.float32),
            jax.ShapeDtypeStruct((_E, _BC), jnp.float32),
            jax.ShapeDtypeStruct((_E, _BC), jnp.float32),
            jax.ShapeDtypeStruct((1, _E), jnp.float32),
        ],
    )(x, h, W1, b1r, W2, b2r)

    out, lacc = pl.pallas_call(
        _e2v_body,
        grid=(_NT, _B),
        in_specs=[
            pl.BlockSpec((_TN, _E), lambda n, b: (n, 0)),
            pl.BlockSpec((_TN, _C), lambda n, b: (n, b)),
            pl.BlockSpec((_E, _C), lambda n, b: (0, b)),
            pl.BlockSpec((_E, _C), lambda n, b: (0, b)),
            pl.BlockSpec((_E, _C), lambda n, b: (0, jnp.minimum(n, _B - 1))),
            pl.BlockSpec((_E, _C), lambda n, b: (0, b)),
        ],
        out_specs=[
            pl.BlockSpec((1, _TN, _C), lambda n, b: (b, n, 0)),
            pl.BlockSpec((8, 128), lambda n, b: (0, 0)),
        ],
        out_shape=[
            jax.ShapeDtypeStruct((_B, _N, _C), jnp.float32),
            jax.ShapeDtypeStruct((8, 128), jnp.float32),
        ],
    )(h, xr, he, he2, he, he)

    loss_node = lacc[0, 0] / float(_B * _N * _C)
    loss_hyper = lacc[0, 1] / float((_B * _E) * (_B * _E))
    return out, loss_node + loss_hyper

# --- scband reference (transcript-rebuilt; emitter-appended) ---
"""Pipeline reference for scband-hypergraph-conv-dhg-33973191311518 (READ-ONLY COPY).

The authoritative reference and input builder live on the scoring server;
editing this copy changes nothing except your own understanding.
"""

import jax, jax.numpy as jnp
import numpy as np

B, N, E = 8, 10000, 512
NNZ = 16384
C_IN, C_OUT = 128, 128


def _batched_incidence(node_idx, edge_idx):
    # Faithful to _create_batched_hypergraph: replicate the single hypergraph B times with node/edge offsets.
    off_n = (jnp.arange(B, dtype=node_idx.dtype) * N)[:, None]
    off_e = (jnp.arange(B, dtype=edge_idx.dtype) * E)[:, None]
    nb = (node_idx[None, :] + off_n).reshape(-1)
    eb = (edge_idx[None, :] + off_e).reshape(-1)
    return nb, eb


def _forward(x, W1, b1, W2, b2, nb, eb):
    Bn = B * N
    Be = B * E
    # 1) feature linear transform
    x_t = x @ W1 + b1
    xr = x_t.reshape(Bn, C_OUT)
    # degrees of batched hypergraph (DHG convention: zero-degree -> inverse set to 0)
    ones = jnp.ones(nb.shape, dtype=jnp.float32)
    d_e = jax.ops.segment_sum(ones, eb, num_segments=Be)
    d_v = jax.ops.segment_sum(ones, nb, num_segments=Bn)
    inv_de = jnp.where(d_e > 0, 1.0 / jnp.maximum(d_e, 1.0), 0.0)
    inv_dv = jnp.where(d_v > 0, 1.0 / jnp.maximum(d_v, 1.0), 0.0)
    # 2) v2e sum: hyperedge features = sum of member node features (H^T X)
    he = jax.ops.segment_sum(xr[nb], eb, num_segments=Be)
    # 3) NHC constraint: pairwise cosine sim + euclidean cdist over all batched hyperedges
    nrm = jnp.maximum(jnp.linalg.norm(he, axis=-1), 1e-8)  # F.cosine_similarity eps
    hen = he / nrm[:, None]
    sim = hen @ hen.T
    sq = jnp.sum(he * he, axis=-1)
    dist2 = sq[:, None] + sq[None, :] - 2.0 * (he @ he.T)
    dist = jnp.sqrt(jnp.clip(dist2, 1e-12, None))
    loss_item = sim * dist + (1.0 - sim) * jnp.maximum(4.2 - dist, 0.0)
    loss_hyper = jnp.mean(jnp.abs(loss_item))
    # e2v mean reconstruction: D_v^-1 H he
    recon = jax.ops.segment_sum(he[eb], nb, num_segments=Bn) * inv_dv[:, None]
    loss_node = jnp.mean(jnp.abs(xr - recon))
    constraint_loss = loss_node + loss_hyper
    # 4) HGNNPConv: theta -> v2v(mean, mean) -> ReLU (dropout is identity in eval)
    y = xr @ W2 + b2
    he2 = jax.ops.segment_sum(y[nb], eb, num_segments=Be) * inv_de[:, None]
    y2 = jax.ops.segment_sum(he2[eb], nb, num_segments=Bn) * inv_dv[:, None]
    out = jax.nn.relu(y2).reshape(B, N, C_OUT)
    return out, constraint_loss


def setup_inputs(seed: int = 0):
    key = jax.random.key(seed)
    ks = jax.random.split(key, 8)
    x = jax.random.normal(ks[0], (B, N, C_IN), dtype=jnp.float32)
    node_idx = jax.random.randint(ks[1], (NNZ,), 0, N, dtype=jnp.int32)
    edge_idx = jax.random.randint(ks[2], (NNZ,), 0, E, dtype=jnp.int32)
    s1 = 1.0 / np.sqrt(C_IN)
    s2 = 1.0 / np.sqrt(C_OUT)
    W1 = jax.random.uniform(ks[3], (C_IN, C_OUT), jnp.float32, -s1, s1)
    b1 = jax.random.uniform(ks[4], (C_OUT,), jnp.float32, -s1, s1)
    W2 = jax.random.uniform(ks[5], (C_OUT, C_OUT), jnp.float32, -s2, s2)
    b2 = jax.random.uniform(ks[6], (C_OUT,), jnp.float32, -s2, s2)
    return {"x": x, "node_idx": node_idx, "edge_idx": edge_idx, "W1": W1, "b1": b1, "W2": W2, "b2": b2}


def reference(x, node_idx, edge_idx, W1, b1, W2, b2):
    nb, eb = _batched_incidence(node_idx, edge_idx)
    return _forward(x, W1, b1, W2, b2, nb, eb)

if __name__ == "__main__":
    import jax
    _d = setup_inputs()
    print(jax.jit(kernel)(*tuple(_d.values())))

</pallas_src>

<mosaic_0001>
module attributes {stable_mosaic.version = 14 : i64} {
  func.func @_v2e_body(%arg0: i32, %arg1: i32, %arg2: memref<1x1000x128xf32, #tpu.memory_space<vmem>>, %arg3: memref<1000x512xf32, #tpu.memory_space<vmem>>, %arg4: memref<128x128xf32, #tpu.memory_space<vmem>>, %arg5: memref<1x128xf32, #tpu.memory_space<vmem>>, %arg6: memref<128x128xf32, #tpu.memory_space<vmem>>, %arg7: memref<1x128xf32, #tpu.memory_space<vmem>>, %arg8: memref<1000x128xf32, #tpu.memory_space<vmem>>, %arg9: memref<512x1024xf32, #tpu.memory_space<vmem>>, %arg10: memref<512x1024xf32, #tpu.memory_space<vmem>>, %arg11: memref<1x512xf32, #tpu.memory_space<vmem>>) attributes {dimension_semantics = [#tpu.dimension_semantics<arbitrary>, #tpu.dimension_semantics<arbitrary>], iteration_bounds = array<i64: 10, 8>, scalar_prefetch = 0 : i64, scratch_operands = 0 : i64, tpu.core_type = #tpu.core_type<tc>, window_params = [{transform_indices = @transform_0, window_bounds = array<i64: 1, 1000, 128>}, {transform_indices = @transform_1, window_bounds = array<i64: 1000, 512>}, {pipeline_mode = #tpu.pipeline_mode<synchronous>, transform_indices = @transform_2, window_bounds = array<i64: 128, 128>}, {pipeline_mode = #tpu.pipeline_mode<synchronous>, transform_indices = @transform_3, window_bounds = array<i64: 1, 128>}, {pipeline_mode = #tpu.pipeline_mode<synchronous>, transform_indices = @transform_4, window_bounds = array<i64: 128, 128>}, {pipeline_mode = #tpu.pipeline_mode<synchronous>, transform_indices = @transform_5, window_bounds = array<i64: 1, 128>}, {transform_indices = @transform_6, window_bounds = array<i64: 1000, 128>}, {pipeline_mode = #tpu.pipeline_mode<synchronous>, transform_indices = @transform_7, window_bounds = array<i64: 512, 1024>}, {pipeline_mode = #tpu.pipeline_mode<synchronous>, transform_indices = @transform_8, window_bounds = array<i64: 512, 1024>}, {pipeline_mode = #tpu.pipeline_mode<synchronous>, transform_indices = @transform_9, window_bounds = array<i64: 1, 512>}]} {
    %get3A = arith.constant 0 : index
    %get3A_0 = arith.constant 0 : index
    %get3A_1 = arith.constant 0 : index
    %get3A_2 = vector.load %arg2[%get3A, %get3A_0, %get3A_1] : memref<1x1000x128xf32, #tpu.memory_space<vmem>>, vector<1x1000x128xf32>
    %get3A_3 = vector.shape_cast %get3A_2 : vector<1x1000x128xf32> to vector<1000x128xf32>
    %get3A_4 = arith.constant 0 : index
    %get3A_5 = arith.constant 0 : index
    %get3A_6 = vector.load %arg4[%get3A_4, %get3A_5] : memref<128x128xf32, #tpu.memory_space<vmem>>, vector<128x128xf32>
    %dot_general3A = arith.constant dense<0.000000e+00> : vector<1000x128xf32>
    %dot_general3A_7 = tpu.matmul %get3A_3, %get3A_6, %dot_general3A {dimension_numbers = #tpu.dot_dimension_numbers<[1], [0], [0], [1], [0, 0, 1, 1], [], []>, transpose_lhs_hint = false} : vector<1000x128xf32>, vector<128x128xf32>, vector<1000x128xf32> -> vector<1000x128xf32>
    %get3A_8 = arith.constant 0 : index
    %get3A_9 = arith.constant 0 : index
    %get3A_10 = vector.load %arg5[%get3A_8, %get3A_9] : memref<1x128xf32, #tpu.memory_space<vmem>>, vector<1x128xf32>
    %add3A = vector.broadcast %get3A_10 : vector<1x128xf32> to vector<1000x128xf32>
    %add3A_11 = arith.addf %dot_general3A_7, %add3A : vector<1000x128xf32>
    %get3A_12 = arith.constant 0 : index
    %get3A_13 = arith.constant 0 : index
    %get3A_14 = vector.load %arg6[%get3A_12, %get3A_13] : memref<128x128xf32, #tpu.memory_space<vmem>>, vector<128x128xf32>
    %dot_general3A_15 = arith.constant dense<0.000000e+00> : vector<1000x128xf32>
    %dot_general3A_16 = tpu.matmul %add3A_11, %get3A_14, %dot_general3A_15 {dimension_numbers = #tpu.dot_dimension_numbers<[1], [0], [0], [1], [0, 0, 1, 1], [], []>, transpose_lhs_hint = false} : vector<1000x128xf32>, vector<128x128xf32>, vector<1000x128xf32> -> vector<1000x128xf32>
    %get3A_17 = arith.constant 0 : index
    %get3A_18 = arith.constant 0 : index
    %get3A_19 = vector.load %arg7[%get3A_17, %get3A_18] : memref<1x128xf32, #tpu.memory_space<vmem>>, vector<1x128xf32>
    %add3A_20 = vector.broadcast %get3A_19 : vector<1x128xf32> to vector<1000x128xf32>
    %add3A_21 = arith.addf %dot_general3A_16, %add3A_20 : vector<1000x128xf32>
    %swap3A = arith.constant 0 : index
    %swap3A_22 = arith.constant 0 : index
    %swap3A_23 = vector.load %arg8[%swap3A, %swap3A_22] : memref<1000x128xf32, #tpu.memory_space<vmem>>, vector<1000x128xf32>
    tpu.vector_store %arg8[%swap3A, %swap3A_22], %add3A_11 {strides = array<i32>} : memref<1000x128xf32, #tpu.memory_space<vmem>>, vector<1000x128xf32>,
    %get3A_24 = arith.constant 0 : index
    %get3A_25 = arith.constant 0 : index
    %get3A_26 = vector.load %arg3[%get3A_24, %get3A_25] : memref<1000x512xf32, #tpu.memory_space<vmem>>, vector<1000x512xf32>
    %convert_element_type3A = arith.truncf %get3A_26 : vector<1000x512xf32> to vector<1000x512xbf16>
    %convert_element_type3A_27 = arith.truncf %add3A_11 : vector<1000x128xf32> to vector<1000x128xbf16>
    %dot_general3A_28 = arith.constant dense<0.000000e+00> : vector<512x128xf32>
    %dot_general3A_29 = tpu.matmul %convert_element_type3A, %convert_element_type3A_27, %dot_general3A_28 {dimension_numbers = #tpu.dot_dimension_numbers<[0], [0], [1], [1], [0, 1, 1, 1], [], []>, transpose_lhs_hint = false} : vector<1000x512xbf16>, vector<1000x128xbf16>, vector<512x128xf32> -> vector<512x128xf32>
    %convert_element_type3A_30 = arith.truncf %add3A_21 : vector<1000x128xf32> to vector<1000x128xbf16>
    %dot_general3A_31 = arith.constant dense<0.000000e+00> : vector<512x128xf32>
    %dot_general3A_32 = tpu.matmul %convert_element_type3A, %convert_element_type3A_30, %dot_general3A_31 {dimension_numbers = #tpu.dot_dimension_numbers<[0], [0], [1], [1], [0, 1, 1, 1], [], []>, transpose_lhs_hint = false} : vector<1000x512xbf16>, vector<1000x128xbf16>, vector<512x128xf32> -> vector<512x128xf32>
    %mul3A = arith.constant 128 : i32
    %mul3A_33 = arith.muli %arg1, %mul3A : i32
    %multiple_of3A = tpu.assume_multiple %mul3A_33, 128 : i32
    %eq3A = arith.constant 0 : i32
    %eq3A_34 = arith.cmpi eq, %arg0, %eq3A : i32
    %convert_element_type3A_35 = arith.extui %eq3A_34 : i1 to i32
    %cond3A = arith.constant 0 : i32
    %cond3A_36 = arith.cmpi ne, %convert_element_type3A_35, %cond3A : i32
    scf.if %cond3A_36 {
      %swap3A_53 = arith.constant 0 : index
      %swap3A_54 = arith.index_cast %multiple_of3A : i32 to index
      %swap3A_55 = vector.load %arg9[%swap3A_53, %swap3A_54] : memref<512x1024xf32, #tpu.memory_space<vmem>>, vector<512x128xf32>
      tpu.vector_store %arg9[%swap3A_53, %swap3A_54], %dot_general3A_29 {strides = array<i32>} : memref<512x1024xf32, #tpu.memory_space<vmem>>, vector<512x128xf32>,
      %swap3A_56 = arith.constant 0 : index
      %swap3A_57 = arith.index_cast %multiple_of3A : i32 to index
      %swap3A_58 = vector.load %arg10[%swap3A_56, %swap3A_57] : memref<512x1024xf32, #tpu.memory_space<vmem>>, vector<512x128xf32>
      tpu.vector_store %arg10[%swap3A_56, %swap3A_57], %dot_general3A_32 {strides = array<i32>} : memref<512x1024xf32, #tpu.memory_space<vmem>>, vector<512x128xf32>,
    } else {
    }
    %gt3A = arith.constant 0 : i32
    %gt3A_37 = arith.cmpi sgt, %arg0, %gt3A : i32
    %convert_element_type3A_38 = arith.extui %gt3A_37 : i1 to i32
    %cond3A_39 = arith.constant 0 : i32
    %cond3A_40 = arith.cmpi ne, %convert_element_type3A_38, %cond3A_39 : i32
    scf.if %cond3A_40 {
      %get3A_53 = arith.constant 0 : index
      %get3A_54 = arith.index_cast %multiple_of3A : i32 to index
      %get3A_55 = vector.load %arg9[%get3A_53, %get3A_54] : memref<512x1024xf32, #tpu.memory_space<vmem>>, vector<512x128xf32>
      %add3A_56 = arith.addf %get3A_55, %dot_general3A_29 : vector<512x128xf32>
      %swap3A_57 = arith.constant 0 : index
      %swap3A_58 = arith.index_cast %multiple_of3A : i32 to index
      %swap3A_59 = vector.load %arg9[%swap3A_57, %swap3A_58] : memref<512x1024xf32, #tpu.memory_space<vmem>>, vector<512x128xf32>
      tpu.vector_store %arg9[%swap3A_57, %swap3A_58], %add3A_56 {strides = array<i32>} : memref<512x1024xf32, #tpu.memory_space<vmem>>, vector<512x128xf32>,
      %get3A_60 = arith.constant 0 : index
      %get3A_61 = arith.index_cast %multiple_of3A : i32 to index
      %get3A_62 = vector.load %arg10[%get3A_60, %get3A_61] : memref<512x1024xf32, #tpu.memory_space<vmem>>, vector<512x128xf32>
      %add3A_63 = arith.addf %get3A_62, %dot_general3A_32 : vector<512x128xf32>
      %swap3A_64 = arith.constant 0 : index
      %swap3A_65 = arith.index_cast %multiple_of3A : i32 to index
      %swap3A_66 = vector.load %arg10[%swap3A_64, %swap3A_65] : memref<512x1024xf32, #tpu.memory_space<vmem>>, vector<512x128xf32>
      tpu.vector_store %arg10[%swap3A_64, %swap3A_65], %add3A_63 {strides = array<i32>} : memref<512x1024xf32, #tpu.memory_space<vmem>>, vector<512x128xf32>,
    } else {
    }
    %eq3A_41 = arith.constant 0 : i32
    %eq3A_42 = arith.cmpi eq, %arg1, %eq3A_41 : i32
    %convert_element_type3A_43 = arith.extui %eq3A_42 : i1 to i32
    %cond3A_44 = arith.constant 0 : i32
    %cond3A_45 = arith.cmpi ne, %convert_element_type3A_43, %cond3A_44 : i32
    scf.if %cond3A_45 {
      %reduce_sum3A = arith.constant dense<0.000000e+00> : vector<512xf32>
      %reduce_sum3A_53 = vector.multi_reduction <add>, %get3A_26, %reduce_sum3A [0] : vector<1000x512xf32> to vector<512xf32>
      %broadcast_in_dim3A = vector.shape_cast %reduce_sum3A_53 : vector<512xf32> to vector<1x512xf32>
      %eq3A_54 = arith.constant 0 : i32
      %eq3A_55 = arith.cmpi eq, %arg0, %eq3A_54 : i32
      %convert_element_type3A_56 = arith.extui %eq3A_55 : i1 to i32
      %cond3A_57 = arith.constant 0 : i32
      %cond3A_58 = arith.cmpi ne, %convert_element_type3A_56, %cond3A_57 : i32
      scf.if %cond3A_58 {
        %swap3A_64 = arith.constant 0 : index
        %swap3A_65 = arith.constant 0 : index
        %swap3A_66 = vector.load %arg11[%swap3A_64, %swap3A_65] : memref<1x512xf32, #tpu.memory_space<vmem>>, vector<1x512xf32>
        tpu.vector_store %arg11[%swap3A_64, %swap3A_65], %broadcast_in_dim3A {strides = array<i32>} : memref<1x512xf32, #tpu.memory_space<vmem>>, vector<1x512xf32>,
      } else {
      }
      %gt3A_59 = arith.constant 0 : i32
      %gt3A_60 = arith.cmpi sgt, %arg0, %gt3A_59 : i32
      %convert_element_type3A_61 = arith.extui %gt3A_60 : i1 to i32
      %cond3A_62 = arith.constant 0 : i32
      %cond3A_63 = arith.cmpi ne, %convert_element_type3A_61, %cond3A_62 : i32
      scf.if %cond3A_63 {
        %get3A_64 = arith.constant 0 : index
        %get3A_65 = arith.constant 0 : index
        %get3A_66 = vector.load %arg11[%get3A_64, %get3A_65] : memref<1x512xf32, #tpu.memory_space<vmem>>, vector<1x512xf32>
        %add3A_67 = arith.addf %get3A_66, %broadcast_in_dim3A : vector<1x512xf32>
        %swap3A_68 = arith.constant 0 : index
        %swap3A_69 = arith.constant 0 : index
        %swap3A_70 = vector.load %arg11[%swap3A_68, %swap3A_69] : memref<1x512xf32, #tpu.memory_space<vmem>>, vector<1x512xf32>
        tpu.vector_store %arg11[%swap3A_68, %swap3A_69], %add3A_67 {strides = array<i32>} : memref<1x512xf32, #tpu.memory_space<vmem>>, vector<1x512xf32>,
      } else {
      }
    } else {
    }
    %eq3A_46 = arith.constant 9 : i32
    %eq3A_47 = arith.cmpi eq, %arg0, %eq3A_46 : i32
    %eq3A_48 = arith.constant 7 : i32
    %eq3A_49 = arith.cmpi eq, %arg1, %eq3A_48 : i32
    %and3A = arith.andi %eq3A_47, %eq3A_49 : i1
    %convert_element_type3A_50 = arith.extui %and3A : i1 to i32
    %cond3A_51 = arith.constant 0 : i32
    %cond3A_52 = arith.cmpi ne, %convert_element_type3A_50, %cond3A_51 : i32
    scf.if %cond3A_52 {
      %get3A_53 = arith.constant 0 : index
      %get3A_54 = arith.constant 0 : index
      %get3A_55 = vector.load %arg11[%get3A_53, %get3A_54] : memref<1x512xf32, #tpu.memory_space<vmem>>, vector<1x512xf32>
      %gt3A_56 = arith.constant 0.000000e+00 : f32
      %gt3A_57 = vector.broadcast %gt3A_56 : f32 to vector<1x512xf32>
      %gt3A_58 = arith.cmpf ogt, %get3A_55, %gt3A_57 : vector<1x512xf32>
      %max3A = arith.constant 1.000000e+00 : f32
      %max3A_59 = vector.broadcast %max3A : f32 to vector<1x512xf32>
      %max3A_60 = arith.maximumf %get3A_55, %max3A_59 : vector<1x512xf32>
      %div3A = arith.constant 1.000000e+00 : f32
      %div3A_61 = vector.broadcast %div3A : f32 to vector<1x512xf32>
      %div3A_62 = arith.divf %div3A_61, %max3A_60 : vector<1x512xf32>
      %jit3A = arith.constant 0.000000e+00 : f32
      %broadcast_in_dim3A = vector.broadcast %jit3A : f32 to vector<1x512xf32>
      %select_n3A = arith.select %gt3A_58, %div3A_62, %broadcast_in_dim3A : vector<1x512xi1>, vector<1x512xf32>
      %get3A_63 = arith.constant 0 : index
      %get3A_64 = arith.constant 0 : index
      %get3A_65 = vector.load %arg10[%get3A_63, %get3A_64] : memref<512x1024xf32, #tpu.memory_space<vmem>>, vector<512x1024xf32>
      %transpose3A = tpu.transpose %select_n3A, [1, 0] : vector<1x512xf32> -> vector<512x1xf32>
      %mul3A_66 = vector.broadcast %transpose3A : vector<512x1xf32> to vector<512x1024xf32>
      %mul3A_67 = arith.mulf %get3A_65, %mul3A_66 : vector<512x1024xf32>
      %swap3A_68 = arith.constant 0 : index
      %swap3A_69 = arith.constant 0 : index
      %swap3A_70 = vector.load %arg10[%swap3A_68, %swap3A_69] : memref<512x1024xf32, #tpu.memory_space<vmem>>, vector<512x1024xf32>
      tpu.vector_store %arg10[%swap3A_68, %swap3A_69], %mul3A_67 {strides = array<i32>} : memref<512x1024xf32, #tpu.memory_space<vmem>>, vector<512x1024xf32>,
    } else {
    }
    return
  }
  func.func @transform_0(%arg0: i32, %arg1: i32) -> (i32, i32, i32) {
    %c0_i32 = arith.constant 0 : i32
    %c0_i32_0 = arith.constant 0 : i32
    return %arg1, %arg0, %c0_i32 : i32, i32, i32
  }
  func.func @transform_1(%arg0: i32, %arg1: i32) -> (i32, i32) {
    %c0_i32 = arith.constant 0 : i32
    %c0_i32_0 = arith.constant 0 : i32
    return %arg0, %c0_i32 : i32, i32
  }
  func.func @transform_2(%arg0: i32, %arg1: i32) -> (i32, i32) {
    %c0_i32 = arith.constant 0 : i32
    %c0_i32_0 = arith.constant 0 : i32
    %c0_i32_1 = arith.constant 0 : i32
    return %c0_i32, %c0_i32_0 : i32, i32
  }
  func.func @transform_3(%arg0: i32, %arg1: i32) -> (i32, i32) {
    %c0_i32 = arith.constant 0 : i32
    %c0_i32_0 = arith.constant 0 : i32
    %c0_i32_1 = arith.constant 0 : i32
    return %c0_i32, %c0_i32_0 : i32, i32
  }
  func.func @transform_4(%arg0: i32, %arg1: i32) -> (i32, i32) {
    %c0_i32 = arith.constant 0 : i32
    %c0_i32_0 = arith.constant 0 : i32
    %c0_i32_1 = arith.constant 0 : i32
    return %c0_i32, %c0_i32_0 : i32, i32
  }
  func.func @transform_5(%arg0: i32, %arg1: i32) -> (i32, i32) {
    %c0_i32 = arith.constant 0 : i32
    %c0_i32_0 = arith.constant 0 : i32
    %c0_i32_1 = arith.constant 0 : i32
    return %c0_i32, %c0_i32_0 : i32, i32
  }
  func.func @transform_6(%arg0: i32, %arg1: i32) -> (i32, i32) {
    %c0_i32 = arith.constant 0 : i32
    return %arg0, %arg1 : i32, i32
  }
  func.func @transform_7(%arg0: i32, %arg1: i32) -> (i32, i32) {
    %c0_i32 = arith.constant 0 : i32
    %c0_i32_0 = arith.constant 0 : i32
    %c0_i32_1 = arith.constant 0 : i32
    return %c0_i32, %c0_i32_0 : i32, i32
  }
  func.func @transform_8(%arg0: i32, %arg1: i32) -> (i32, i32) {
    %c0_i32 = arith.constant 0 : i32
    %c0_i32_0 = arith.constant 0 : i32
    %c0_i32_1 = arith.constant 0 : i32
    return %c0_i32, %c0_i32_0 : i32, i32
  }
  func.func @transform_9(%arg0: i32, %arg1: i32) -> (i32, i32) {
    %c0_i32 = arith.constant 0 : i32
    %c0_i32_0 = arith.constant 0 : i32
    %c0_i32_1 = arith.constant 0 : i32
    return %c0_i32, %c0_i32_0 : i32, i32
  }
}

module attributes {stable_mosaic.version = 14 : i64} {
  func.func @_e2v_body(%arg0: i32, %arg1: i32, %arg2: memref<1000x512xf32, #tpu.memory_space<vmem>>, %arg3: memref<1000x128xf32, #tpu.memory_space<vmem>>, %arg4: memref<512x128xf32, #tpu.memory_space<vmem>>, %arg5: memref<512x128xf32, #tpu.memory_space<vmem>>, %arg6: memref<512x128xf32, #tpu.memory_space<vmem>>, %arg7: memref<512x128xf32, #tpu.memory_space<vmem>>, %arg8: memref<1x1000x128xf32, #tpu.memory_space<vmem>>, %arg9: memref<8x128xf32, #tpu.memory_space<vmem>>) attributes {dimension_semantics = [#tpu.dimension_semantics<arbitrary>, #tpu.dimension_semantics<arbitrary>], iteration_bounds = array<i64: 10, 8>, scalar_prefetch = 0 : i64, scratch_operands = 0 : i64, tpu.core_type = #tpu.core_type<tc>, window_params = [{transform_indices = @transform_0, window_bounds = array<i64: 1000, 512>}, {transform_indices = @transform_1, window_bounds = array<i64: 1000, 128>}, {transform_indices = @transform_2, window_bounds = array<i64: 512, 128>}, {transform_indices = @transform_3, window_bounds = array<i64: 512, 128>}, {transform_indices = @transform_4, window_bounds = array<i64: 512, 128>}, {transform_indices = @transform_5, window_bounds = array<i64: 512, 128>}, {transform_indices = @transform_6, window_bounds = array<i64: 1, 1000, 128>}, {pipeline_mode = #tpu.pipeline_mode<synchronous>, transform_indices = @transform_7, window_bounds = array<i64: 8, 128>}]} {
    %get3A = arith.constant 0 : index
    %get3A_0 = arith.constant 0 : index
    %get3A_1 = vector.load %arg2[%get3A, %get3A_0] : memref<1000x512xf32, #tpu.memory_space<vmem>>, vector<1000x512xf32>
    %reduce_sum3A = arith.constant dense<0.000000e+00> : vector<1000xf32>
    %reduce_sum3A_2 = vector.multi_reduction <add>, %get3A_1, %reduce_sum3A [1] : vector<1000x512xf32> to vector<1000xf32>
    %gt3A = arith.constant 0.000000e+00 : f32
    %gt3A_3 = vector.broadcast %gt3A : f32 to vector<1000xf32>
    %gt3A_4 = arith.cmpf ogt, %reduce_sum3A_2, %gt3A_3 : vector<1000xf32>
    %max3A = arith.constant 1.000000e+00 : f32
    %max3A_5 = vector.broadcast %max3A : f32 to vector<1000xf32>
    %max3A_6 = arith.maximumf %reduce_sum3A_2, %max3A_5 : vector<1000xf32>
    %div3A = arith.constant 1.000000e+00 : f32
    %div3A_7 = vector.broadcast %div3A : f32 to vector<1000xf32>
    %div3A_8 = arith.divf %div3A_7, %max3A_6 : vector<1000xf32>
    %jit3A = arith.constant 0.000000e+00 : f32
    %broadcast_in_dim3A = vector.broadcast %jit3A : f32 to vector<1000xf32>
    %select_n3A = arith.select %gt3A_4, %div3A_8, %broadcast_in_dim3A : vector<1000xi1>, vector<1000xf32>
    %convert_element_type3A = arith.truncf %get3A_1 : vector<1000x512xf32> to vector<1000x512xbf16>
    %get3A_9 = arith.constant 0 : index
    %get3A_10 = arith.constant 0 : index
    %get3A_11 = vector.load %arg4[%get3A_9, %get3A_10] : memref<512x128xf32, #tpu.memory_space<vmem>>, vector<512x128xf32>
    %convert_element_type3A_12 = arith.truncf %get3A_11 : vector<512x128xf32> to vector<512x128xbf16>
    %dot_general3A = arith.constant dense<0.000000e+00> : vector<1000x128xf32>
    %dot_general3A_13 = tpu.matmul %convert_element_type3A, %convert_element_type3A_12, %dot_general3A {dimension_numbers = #tpu.dot_dimension_numbers<[1], [0], [0], [1], [0, 0, 1, 1], [], []>, transpose_lhs_hint = false} : vector<1000x512xbf16>, vector<512x128xbf16>, vector<1000x128xf32> -> vector<1000x128xf32>
    %broadcast_in_dim3A_14 = vector.shape_cast %select_n3A : vector<1000xf32> to vector<1000x1xf32>
    %mul3A = vector.broadcast %broadcast_in_dim3A_14 : vector<1000x1xf32> to vector<1000x128xf32>
    %mul3A_15 = arith.mulf %dot_general3A_13, %mul3A : vector<1000x128xf32>
    %get3A_16 = arith.constant 0 : index
    %get3A_17 = arith.constant 0 : index
    %get3A_18 = vector.load %arg3[%get3A_16, %get3A_17] : memref<1000x128xf32, #tpu.memory_space<vmem>>, vector<1000x128xf32>
    %sub3A = arith.subf %get3A_18, %mul3A_15 : vector<1000x128xf32>
    %abs3A = math.absf %sub3A : vector<1000x128xf32>
    %reduce_sum3A_19 = vector.shape_cast %abs3A : vector<1000x128xf32> to vector<1x1000x128xf32>
    %reduce_sum3A_20 = arith.constant dense<0.000000e+00> : vector<1xf32>
    %reduce_sum3A_21 = vector.multi_reduction <add>, %reduce_sum3A_19, %reduce_sum3A_20 [1, 2] : vector<1x1000x128xf32> to vector<1xf32>
    %reduce_sum3A_22 = vector.shape_cast %reduce_sum3A_21 : vector<1xf32> to vector<1x1x1xf32>
    %reduce_sum3A_23 = vector.extract %reduce_sum3A_22[0, 0, 0] : f32 from vector<1x1x1xf32>
    %get3A_24 = arith.constant 0 : index
    %get3A_25 = arith.constant 0 : index
    %get3A_26 = vector.load %arg5[%get3A_24, %get3A_25] : memref<512x128xf32, #tpu.memory_space<vmem>>, vector<512x128xf32>
    %convert_element_type3A_27 = arith.truncf %get3A_26 : vector<512x128xf32> to vector<512x128xbf16>
    %dot_general3A_28 = arith.constant dense<0.000000e+00> : vector<1000x128xf32>
    %dot_general3A_29 = tpu.matmul %convert_element_type3A, %convert_element_type3A_27, %dot_general3A_28 {dimension_numbers = #tpu.dot_dimension_numbers<[1], [0], [0], [1], [0, 0, 1, 1], [], []>, transpose_lhs_hint = false} : vector<1000x512xbf16>, vector<512x128xbf16>, vector<1000x128xf32> -> vector<1000x128xf32>
    %broadcast_in_dim3A_30 = vector.shape_cast %select_n3A : vector<1000xf32> to vector<1000x1xf32>
    %mul3A_31 = vector.broadcast %broadcast_in_dim3A_30 : vector<1000x1xf32> to vector<1000x128xf32>
    %mul3A_32 = arith.mulf %dot_general3A_29, %mul3A_31 : vector<1000x128xf32>
    %max3A_33 = arith.constant 0.000000e+00 : f32
    %max3A_34 = vector.broadcast %max3A_33 : f32 to vector<1000x128xf32>
    %max3A_35 = arith.maximumf %mul3A_32, %max3A_34 : vector<1000x128xf32>
    %swap3A = arith.constant 0 : index
    %swap3A_36 = arith.constant 0 : index
    %swap3A_37 = arith.constant 0 : index
    %swap3A_38 = vector.load %arg8[%swap3A, %swap3A_36, %swap3A_37] : memref<1x1000x128xf32, #tpu.memory_space<vmem>>, vector<1x1000x128xf32>
    %swap3A_39 = vector.shape_cast %swap3A_38 : vector<1x1000x128xf32> to vector<1000x128xf32>
    %swap3A_40 = vector.shape_cast %max3A_35 : vector<1000x128xf32> to vector<1x1000x128xf32>
    tpu.vector_store %arg8[%swap3A, %swap3A_36, %swap3A_37], %swap3A_40 {strides = array<i32>} : memref<1x1000x128xf32, #tpu.memory_space<vmem>>, vector<1x1000x128xf32>,
    %eq3A = arith.constant 0 : i32
    %eq3A_41 = arith.cmpi eq, %arg0, %eq3A : i32
    %eq3A_42 = arith.constant 0 : i32
    %eq3A_43 = arith.cmpi eq, %arg1, %eq3A_42 : i32
    %and3A = arith.andi %eq3A_41, %eq3A_43 : i1
    %convert_element_type3A_44 = arith.extui %and3A : i1 to i32
    %cond3A = arith.constant 0 : i32
    %cond3A_45 = arith.cmpi ne, %convert_element_type3A_44, %cond3A : i32
    scf.if %cond3A_45 {
      %broadcast_in_dim3A_69 = arith.constant 0.000000e+00 : f32
      %broadcast_in_dim3A_70 = vector.broadcast %broadcast_in_dim3A_69 : f32 to vector<8x128xf32>
      %swap3A_71 = arith.constant 0 : index
      %swap3A_72 = arith.constant 0 : index
      %swap3A_73 = vector.load %arg9[%swap3A_71, %swap3A_72] : memref<8x128xf32, #tpu.memory_space<vmem>>, vector<8x128xf32>
      tpu.vector_store %arg9[%swap3A_71, %swap3A_72], %broadcast_in_dim3A_70 {strides = array<i32>} : memref<8x128xf32, #tpu.memory_space<vmem>>, vector<8x128xf32>,
    } else {
    }
    %get3A_46 = arith.constant 0 : index
    %get3A_47 = arith.constant 0 : index
    %get3A_48 = vector.load %arg9[%get3A_46, %get3A_47] : memref<8x128xf32, #tpu.memory_space<vmem>>, vector<8x128xf32>
    %iota3A = tpu.iota {dimensions = array<i32: 0>} : vector<8x128xi32>
    %iota3A_49 = tpu.iota {dimensions = array<i32: 1>} : vector<8x128xi32>
    %eq3A_50 = arith.constant 0 : i32
    %eq3A_51 = vector.broadcast %eq3A_50 : i32 to vector<8x128xi32>
    %eq3A_52 = arith.cmpi eq, %iota3A, %eq3A_51 : vector<8x128xi32>
    %eq3A_53 = arith.constant 0 : i32
    %eq3A_54 = vector.broadcast %eq3A_53 : i32 to vector<8x128xi32>
    %eq3A_55 = arith.cmpi eq, %iota3A_49, %eq3A_54 : vector<8x128xi32>
    %and3A_56 = arith.andi %eq3A_52, %eq3A_55 : vector<8x128xi1>
    %jit3A_57 = arith.constant 0.000000e+00 : f32
    %broadcast_in_dim3A_58 = vector.broadcast %reduce_sum3A_23 : f32 to vector<8x128xf32>
    %broadcast_in_dim3A_59 = vector.broadcast %jit3A_57 : f32 to vector<8x128xf32>
    %select_n3A_60 = arith.select %and3A_56, %broadcast_in_dim3A_58, %broadcast_in_dim3A_59 : vector<8x128xi1>, vector<8x128xf32>
    %add3A = arith.addf %get3A_48, %select_n3A_60 : vector<8x128xf32>
    %swap3A_61 = arith.constant 0 : index
    %swap3A_62 = arith.constant 0 : index
    %swap3A_63 = vector.load %arg9[%swap3A_61, %swap3A_62] : memref<8x128xf32, #tpu.memory_space<vmem>>, vector<8x128xf32>
    tpu.vector_store %arg9[%swap3A_61, %swap3A_62], %add3A {strides = array<i32>} : memref<8x128xf32, #tpu.memory_space<vmem>>, vector<8x128xf32>,
    %lt3A = arith.constant 8 : i32
    %lt3A_64 = arith.cmpi slt, %arg0, %lt3A : i32
    %ge3A = arith.cmpi sge, %arg1, %arg0 : i32
    %and3A_65 = arith.andi %lt3A_64, %ge3A : i1
    %convert_element_type3A_66 = arith.extui %and3A_65 : i1 to i32
    %cond3A_67 = arith.constant 0 : i32
    %cond3A_68 = arith.cmpi ne, %convert_element_type3A_66, %cond3A_67 : i32
    scf.if %cond3A_68 {
      %get3A_69 = arith.constant 0 : index
      %get3A_70 = arith.constant 0 : index
      %get3A_71 = vector.load %arg6[%get3A_69, %get3A_70] : memref<512x128xf32, #tpu.memory_space<vmem>>, vector<512x128xf32>
      %get3A_72 = arith.constant 0 : index
      %get3A_73 = arith.constant 0 : index
      %get3A_74 = vector.load %arg7[%get3A_72, %get3A_73] : memref<512x128xf32, #tpu.memory_space<vmem>>, vector<512x128xf32>
      %dot_general3A_75 = arith.constant dense<0.000000e+00> : vector<512x512xf32>
      %dot_general3A_76 = tpu.matmul %get3A_71, %get3A_74, %dot_general3A_75 {dimension_numbers = #tpu.dot_dimension_numbers<[1], [1], [0], [0], [0, 0, 1, 0], [], []>, transpose_lhs_hint = false} : vector<512x128xf32>, vector<512x128xf32>, vector<512x512xf32> -> vector<512x512xf32>
      %mul3A_77 = arith.mulf %get3A_71, %get3A_71 : vector<512x128xf32>
      %reduce_sum3A_78 = arith.constant dense<0.000000e+00> : vector<512xf32>
      %reduce_sum3A_79 = vector.multi_reduction <add>, %mul3A_77, %reduce_sum3A_78 [1] : vector<512x128xf32> to vector<512xf32>
      %mul3A_80 = arith.mulf %get3A_74, %get3A_74 : vector<512x128xf32>
      %reduce_sum3A_81 = arith.constant dense<0.000000e+00> : vector<512xf32>
      %reduce_sum3A_82 = vector.multi_reduction <add>, %mul3A_80, %reduce_sum3A_81 [1] : vector<512x128xf32> to vector<512xf32>
      %sqrt3A = math.sqrt %reduce_sum3A_79 : vector<512xf32>
      %max3A_83 = arith.constant 9.99999993E-9 : f32
      %max3A_84 = vector.broadcast %max3A_83 : f32 to vector<512xf32>
      %max3A_85 = arith.maximumf %sqrt3A, %max3A_84 : vector<512xf32>
      %sqrt3A_86 = math.sqrt %reduce_sum3A_82 : vector<512xf32>
      %max3A_87 = arith.constant 9.99999993E-9 : f32
      %max3A_88 = vector.broadcast %max3A_87 : f32 to vector<512xf32>
      %max3A_89 = arith.maximumf %sqrt3A_86, %max3A_88 : vector<512xf32>
      %div3A_90 = arith.constant 1.000000e+00 : f32
      %div3A_91 = vector.broadcast %div3A_90 : f32 to vector<512xf32>
      %div3A_92 = arith.divf %div3A_91, %max3A_85 : vector<512xf32>
      %broadcast_in_dim3A_93 = vector.shape_cast %div3A_92 : vector<512xf32> to vector<512x1xf32>
      %mul3A_94 = vector.broadcast %broadcast_in_dim3A_93 : vector<512x1xf32> to vector<512x512xf32>
      %mul3A_95 = arith.mulf %dot_general3A_76, %mul3A_94 : vector<512x512xf32>
      %div3A_96 = arith.constant 1.000000e+00 : f32
      %div3A_97 = vector.broadcast %div3A_96 : f32 to vector<512xf32>
      %div3A_98 = arith.divf %div3A_97, %max3A_89 : vector<512xf32>
      %broadcast_in_dim3A_99 = vector.shape_cast %div3A_98 : vector<512xf32> to vector<1x512xf32>
      %mul3A_100 = vector.broadcast %broadcast_in_dim3A_99 : vector<1x512xf32> to vector<512x512xf32>
      %mul3A_101 = arith.mulf %mul3A_95, %mul3A_100 : vector<512x512xf32>
      %broadcast_in_dim3A_102 = vector.shape_cast %reduce_sum3A_79 : vector<512xf32> to vector<512x1xf32>
      %broadcast_in_dim3A_103 = vector.shape_cast %reduce_sum3A_82 : vector<512xf32> to vector<1x512xf32>
      %add3A_104 = vector.broadcast %broadcast_in_dim3A_102 : vector<512x1xf32> to vector<512x512xf32>
      %add3A_105 = vector.broadcast %broadcast_in_dim3A_103 : vector<1x512xf32> to vector<512x512xf32>
      %add3A_106 = arith.addf %add3A_104, %add3A_105 : vector<512x512xf32>
      %mul3A_107 = arith.constant 2.000000e+00 : f32
      %mul3A_108 = vector.broadcast %mul3A_107 : f32 to vector<512x512xf32>
      %mul3A_109 = arith.mulf %mul3A_108, %dot_general3A_76 : vector<512x512xf32>
      %sub3A_110 = arith.subf %add3A_106, %mul3A_109 : vector<512x512xf32>
      %jit3A_111 = arith.constant 9.99999996E-13 : f32
      %max3A_112 = vector.broadcast %jit3A_111 : f32 to vector<512x512xf32>
      %max3A_113 = arith.maximumf %max3A_112, %sub3A_110 : vector<512x512xf32>
      %sqrt3A_114 = math.sqrt %max3A_113 : vector<512x512xf32>
      %sub3A_115 = arith.constant 4.200000e+00 : f32
      %sub3A_116 = vector.broadcast %sub3A_115 : f32 to vector<512x512xf32>
      %sub3A_117 = arith.subf %sub3A_116, %sqrt3A_114 : vector<512x512xf32>
      %max3A_118 = arith.constant 0.000000e+00 : f32
      %max3A_119 = vector.broadcast %max3A_118 : f32 to vector<512x512xf32>
      %max3A_120 = arith.maximumf %sub3A_117, %max3A_119 : vector<512x512xf32>
      %sub3A_121 = arith.subf %sqrt3A_114, %max3A_120 : vector<512x512xf32>
      %mul3A_122 = arith.mulf %mul3A_101, %sub3A_121 : vector<512x512xf32>
      %add3A_123 = arith.addf %mul3A_122, %max3A_120 : vector<512x512xf32>
      %eq3A_124 = arith.cmpi eq, %arg1, %arg0 : i32
      %jit3A_125 = arith.constant 1.000000e+00 : f32
      %jit3A_126 = arith.constant 2.000000e+00 : f32
      %select_n3A_127 = arith.select %eq3A_124, %jit3A_125, %jit3A_126 : f32
      %get3A_128 = arith.constant 0 : index
      %get3A_129 = arith.constant 0 : index
      %get3A_130 = vector.load %arg9[%get3A_128, %get3A_129] : memref<8x128xf32, #tpu.memory_space<vmem>>, vector<8x128xf32>
      %abs3A_131 = math.absf %add3A_123 : vector<512x512xf32>
      %reduce_sum3A_132 = vector.shape_cast %abs3A_131 : vector<512x512xf32> to vector<1x512x512xf32>
      %reduce_sum3A_133 = arith.constant dense<0.000000e+00> : vector<1xf32>
      %reduce_sum3A_134 = vector.multi_reduction <add>, %reduce_sum3A_132, %reduce_sum3A_133 [1, 2] : vector<1x512x512xf32> to vector<1xf32>
      %reduce_sum3A_135 = vector.shape_cast %reduce_sum3A_134 : vector<1xf32> to vector<1x1x1xf32>
      %reduce_sum3A_136 = vector.extract %reduce_sum3A_135[0, 0, 0] : f32 from vector<1x1x1xf32>
      %mul3A_137 = arith.mulf %select_n3A_127, %reduce_sum3A_136 : f32
      %iota3A_138 = tpu.iota {dimensions = array<i32: 0>} : vector<8x128xi32>
      %iota3A_139 = tpu.iota {dimensions = array<i32: 1>} : vector<8x128xi32>
      %eq3A_140 = arith.constant 0 : i32
      %eq3A_141 = vector.broadcast %eq3A_140 : i32 to vector<8x128xi32>
      %eq3A_142 = arith.cmpi eq, %iota3A_138, %eq3A_141 : vector<8x128xi32>
      %eq3A_143 = arith.constant 1 : i32
      %eq3A_144 = vector.broadcast %eq3A_143 : i32 to vector<8x128xi32>
      %eq3A_145 = arith.cmpi eq, %iota3A_139, %eq3A_144 : vector<8x128xi32>
      %and3A_146 = arith.andi %eq3A_142, %eq3A_145 : vector<8x128xi1>
      %jit3A_147 = arith.constant 0.000000e+00 : f32
      %broadcast_in_dim3A_148 = vector.broadcast %mul3A_137 : f32 to vector<8x128xf32>
      %broadcast_in_dim3A_149 = vector.broadcast %jit3A_147 : f32 to vector<8x128xf32>
      %select_n3A_150 = arith.select %and3A_146, %broadcast_in_dim3A_148, %broadcast_in_dim3A_149 : vector<8x128xi1>, vector<8x128xf32>
      %add3A_151 = arith.addf %get3A_130, %select_n3A_150 : vector<8x128xf32>
      %swap3A_152 = arith.constant 0 : index
      %swap3A_153 = arith.constant 0 : index
      %swap3A_154 = vector.load %arg9[%swap3A_152, %swap3A_153] : memref<8x128xf32, #tpu.memory_space<vmem>>, vector<8x128xf32>
      tpu.vector_store %arg9[%swap3A_152, %swap3A_153], %add3A_151 {strides = array<i32>} : memref<8x128xf32, #tpu.memory_space<vmem>>, vector<8x128xf32>,
    } else {
    }
    return
  }
  func.func @transform_0(%arg0: i32, %arg1: i32) -> (i32, i32) {
    %c0_i32 = arith.constant 0 : i32
    %c0_i32_0 = arith.constant 0 : i32
    return %arg0, %c0_i32 : i32, i32
  }
  func.func @transform_1(%arg0: i32, %arg1: i32) -> (i32, i32) {
    %c0_i32 = arith.constant 0 : i32
    return %arg0, %arg1 : i32, i32
  }
  func.func @transform_2(%arg0: i32, %arg1: i32) -> (i32, i32) {
    %c0_i32 = arith.constant 0 : i32
    %c0_i32_0 = arith.constant 0 : i32
    return %c0_i32, %arg1 : i32, i32
  }
  func.func @transform_3(%arg0: i32, %arg1: i32) -> (i32, i32) {
    %c0_i32 = arith.constant 0 : i32
    %c0_i32_0 = arith.constant 0 : i32
    return %c0_i32, %arg1 : i32, i32
  }
  func.func @transform_4(%arg0: i32, %arg1: i32) -> (i32, i32) {
    %min3A = arith.constant 7 : i32
    %min3A_0 = arith.minsi %arg0, %min3A : i32
    %c0_i32 = arith.constant 0 : i32
    %c0_i32_1 = arith.constant 0 : i32
    return %c0_i32, %min3A_0 : i32, i32
  }
  func.func @transform_5(%arg0: i32, %arg1: i32) -> (i32, i32) {
    %c0_i32 = arith.constant 0 : i32
    %c0_i32_0 = arith.constant 0 : i32
    return %c0_i32, %arg1 : i32, i32
  }
  func.func @transform_6(%arg0: i32, %arg1: i32) -> (i32, i32, i32) {
    %c0_i32 = arith.constant 0 : i32
    %c0_i32_0 = arith.constant 0 : i32
    return %arg1, %arg0, %c0_i32 : i32, i32, i32
  }
  func.func @transform_7(%arg0: i32, %arg1: i32) -> (i32, i32) {
    %c0_i32 = arith.constant 0 : i32
    %c0_i32_0 = arith.constant 0 : i32
    %c0_i32_1 = arith.constant 0 : i32
    return %c0_i32, %c0_i32_0 : i32, i32
  }
}

</mosaic_0001>

<sc_bundles>
// kernel: scatter_offload_async_start
scs
__scs_entry_jumppad:
0x0: {  	(pc) =	sbr.rel $0x88, $3  }
0x1: {  	(tag) =	ssettag $0x0;
	lr =	simm.s32 $0x1  }
0x2: {  	[smem:$0x3F9A] =	sst lr;
	_ =	strace $0xD0000000  }
0x3: {  	_ = 	snop  }
0x4: {  	_ = 	snop  }
0x5: {  	_ = 	snop  }
0x6: {  	_ = 	snop  }
0x7: {  	_ = 	snop  }
__scs_overlays_trampoline_lowered:
0x8: {  	[smem:$0x3FA9] =	sst s0  }
0x9: {  	[smem:$0x3FAA] =	sst s1  }
0xa: {  	[smem:$0x3FAB] =	sst s2  }
0xb: {  	[smem:$0x3FAC] =	sst s3  }
0xc: {  	[smem:$0x3FAD] =	sst s4  }
0xd: {  	[smem:$0x3FAE] =	sst s5  }
0xe: {  	[smem:$0x3FAF] =	sst s6  }
0xf: {  	[smem:$0x3FB0] =	sst s7  }
0x10: {  	[smem:$0x3FB1] =	sst s8  }
0x11: {  	[smem:$0x3FB2] =	sst s9;
	s0 =	simm.s32 @!p0 $0x0  }
0x12: {  	s1 =	sld [smem:$0x3F98];
	s0 =	simm.s32 @p0 $0x1  }
0x13: {  	[smem:$0x3FB3] =	sst s0;
	s0 =	simm.s32 @!p1 $0x0  }
0x14: {  	s2 =	sld [smem:$0x3F97];
	s0 =	simm.s32 @p1 $0x1  }
0x15: {  	[smem:$0x3FB4] =	sst s0;
	s0 =	simm.s32 @!p2 $0x0  }
0x16: {  	s3 =	sld [smem:$0x3FDB];
	s0 =	simm.s32 @p2 $0x1  }
0x17: {  	s4 =	simm.s32 $0x1BF5;
	[smem:$0x3FB6] =	sst s0  }
0x18: {  	s0 =	sld [smem:$0x3F99];
	_ =	swait.ge [sflag:s4], $0x0  }
0x19: {  	s7 =	sld [smem:$0x3F9A]  }
0x1a: {  	s8 =	sadd.s32 $0xFFFFE003, lr  }
0x1b: {  	s9 =	sadd.s32 $0xFFFFFEF7, lr;
	s5 =	simm.s32 $0xFFFFFFFF;
	p2 =	slt.u32 s8, $0xFFFFF086  }
0x1c: {  	p1 =	slt.u32 s9, $0xF7A;
	s5 =	simm.s32 @!p2 $0x0  }
0x1d: {  	s5 =	simm.s32 @p1 $0x1;
	p0 =	seq.s32 s7, s2  }
0x1e: {  	s7 =	smul.u32 @!p0 $0xF7A, s2;
	p2 =	seq.s32 @!p0 s5, $0x0  }
0x1f: {  	s9 =	smul.u32 $0xF7A, s1;
	s8 =	simm.s32 @!p0 $0x1BF5;
	p2 =	por !p2, p0  }
0x20: {  	[sflag:s8] =	ssyncset.s32 @!p0 $0xFFFFF086;
	s6 =	sadd.s32 @!p0 s3, s7;
	s7 =	simm.s32 @!p0 $0x108  }
0x21: {  	s3 =	sadd.s32 s3, s9;
	s6 =	sadd.s32 @!p0 $0x88, s6;
	s7 =	simm.s32 @p2 $0x1082  }
0x22: {  	[simem:s7], [sflag:s8] =	dma.local @!p0 [hbm:s6], $0xF7A  }
0x23: {  	s9 =	sor.u32 $0xD0000000, s2;
	s6 =	simm.s32 $0x108;
	_ =	swait.ge @!p0 [sflag:s8], $0x0  }
0x24: {  	s3 =	sadd.s32 $0x88, s3;
	s6 =	simm.s32 @!p1 $0x1082;
	[sflag:s4] =	ssyncset.s32 $0xFFFFF086  }
0x25: {  	[simem:s6], [sflag:s4] =	dma.local [hbm:s3], $0xF7A  }
0x26: {  	[smem:$0x3F9A] =	sst s1;
	(tag) =	ssettag s2;
	_ =	strace s9  }
0x27: {  	s1 =	sld [smem:$0x3FAA]  }
0x28: {  	s2 =	sld [smem:$0x3FAB]  }
0x29: {  	s4 =	sld [smem:$0x3FAD]  }
0x2a: {  	p0 =	seq.s32 s5, $0x0;
	s5 =	sld [smem:$0x3FAE]  }
0x2b: {  	s6 =	sld [smem:$0x3FAF]  }
0x2c: {  	s7 =	sld [smem:$0x3FB0]  }
0x2d: {  	s3 =	simm.s32 $0x108;
	s8 =	sld [smem:$0x3FB1]  }
0x2e: {  	s3 =	simm.s32 @!p0 $0x1082;
	s9 =	sld [smem:$0x3FB2]  }
0x2f: {  	lr =	sadd.s32 s0, s3;
	s0 =	sld [smem:$0x3FA9]  }
0x30: {  	s3 =	sld [smem:$0x3FAC]  }
0x31: {  	[smem:$0x3FB5] =	sst s10  }
0x32: {  	s10 =	sld [smem:$0x3FB3];
	_ =	sdelay $0x3  }
0x33: {  	p0 =	seq.s32 s10, $0x1;
	s10 =	sld [smem:$0x3FB5];
	_ =	sdelay $0x3  }
0x34: {  	[smem:$0x3FB5] =	sst s10  }
0x35: {  	s10 =	sld [smem:$0x3FB4];
	_ =	sdelay $0x3  }
0x36: {  	p1 =	seq.s32 s10, $0x1;
	s10 =	sld [smem:$0x3FB5];
	_ =	sdelay $0x3  }
0x37: {  	[smem:$0x3FB5] =	sst s10  }
0x38: {  	s10 =	sld [smem:$0x3FB6]  }
0x39: {  	_ = 	snop;
	(pc) =	sbr.ind lr, $3  }
0x3a: {  	_ = 	snop  }
0x3b: {  	_ = 	snop  }
0x3c: {  	p2 =	seq.s32 s10, $0x1;
	s10 =	sld [smem:$0x3FB5]  }
0x3d: {  	_ =	shalt  }
0x3e: {  	_ =	shalt  }
0x3f: {  	_ =	shalt  }
0x40: {  	_ =	shalt  }
0x41: {  	_ =	shalt  }
0x42: {  	_ =	shalt  }
0x43: {  	_ =	shalt  }
0x44: {  	_ =	shalt  }
0x45: {  	_ =	shalt  }
0x46: {  	_ =	shalt  }
0x47: {  	_ =	shalt  }
0x48: {  	_ =	shalt  }
0x49: {  	_ =	shalt  }
0x4a: {  	_ =	shalt  }
0x4b: {  	_ =	shalt  }
0x4c: {  	_ =	shalt  }
0x4d: {  	_ =	shalt  }
0x4e: {  	_ =	shalt  }
0x4f: {  	_ =	shalt  }
0x50: {  	_ =	shalt  }
0x51: {  	_ =	shalt  }
0x52: {  	_ =	shalt  }
0x53: {  	_ =	shalt  }
0x54: {  	_ =	shalt  }
0x55: {  	_ =	shalt  }
0x56: {  	_ =	shalt  }
0x57: {  	_ =	shalt  }
0x58: {  	_ =	shalt  }
0x59: {  	_ =	shalt  }
0x5a: {  	_ =	shalt  }
0x5b: {  	_ =	shalt  }
0x5c: {  	_ =	shalt  }
0x5d: {  	_ =	shalt  }
0x5e: {  	_ =	shalt  }
0x5f: {  	_ =	shalt  }
0x60: {  	_ =	shalt  }
0x61: {  	_ =	shalt  }
0x62: {  	_ =	shalt  }
0x63: {  	_ =	shalt  }
0x64: {  	_ =	shalt  }
0x65: {  	_ =	shalt  }
0x66: {  	_ =	shalt  }
0x67: {  	_ =	shalt  }
0x68: {  	_ =	shalt  }
0x69: {  	_ =	shalt  }
0x6a: {  	_ =	shalt  }
0x6b: {  	_ =	shalt  }
0x6c: {  	_ =	shalt  }
0x6d: {  	_ =	shalt  }
0x6e: {  	_ =	shalt  }
0x6f: {  	_ =	shalt  }
0x70: {  	_ =	shalt  }
0x71: {  	_ =	shalt  }
0x72: {  	_ =	shalt  }
0x73: {  	_ =	shalt  }
0x74: {  	_ =	shalt  }
0x75: {  	_ =	shalt  }
0x76: {  	_ =	shalt  }
0x77: {  	_ =	shalt  }
0x78: {  	_ =	shalt  }
0x79: {  	_ =	shalt  }
0x7a: {  	_ =	shalt  }
0x7b: {  	_ =	shalt  }
0x7c: {  	_ =	shalt  }
0x7d: {  	_ =	shalt  }
0x7e: {  	_ =	shalt  }
0x7f: {  	_ =	shalt  }
0x80: {  	_ =	shalt  }
0x81: {  	_ =	shalt  }
0x82: {  	_ =	shalt  }
0x83: {  	_ =	shalt  }
0x84: {  	_ =	shalt  }
0x85: {  	_ =	shalt  }
0x86: {  	_ =	shalt  }
0x87: {  	_ =	shalt  }
.Lfunc_end0:
.L_simem_size_0:
called_computation_lowered:
.L_overlay_start_0:
0x88: {  	s0 =	sld [smem:$0x3FD9]  }
0x89: {  	s1 =	sld [smem:$0x3FFE];
	_ =	sdelay $0x3  }
0x8a: {  	s0 =	sadd.s32 s1, s0  }
0x8b: {  	[smem:$0x3FC1] =	sst s0  }
0x8c: {  	_ = 	snop  }
0x8d: {  	s0 =	sld [smem:$0x3FD0];
	_ =	sdelay $0x2  }
0x8e: {  	s13 =	simm.s32 $0xA;
	s2 =	simm.s32 $0x10  }
0x8f: {  	[smem:s2], [sflag:s13] =	dma.local [hbm:s0], $0x1  }
0x90: {  	_ =	swait.eq [sflag:s13], $0x1  }
0x91: {  	[sflag:s13] =	ssyncset.done $0x0  }
0x92: {  	[sflag:s13] =	ssyncadd.s32 $0xFFFFFFFF  }
0x93: {  	s14 =	sld [smem:$0x10];
	(tm) =	ssettm $0x1  }
0x94: {  	s15 =	sld [smem:$0x3FFB];
	_ =	sdelay $0x3  }
0x95: {  	_ =	strace s15  }
0x96: {  	s1 =	sld [smem:$0x3FFC];
	_ =	sdelay $0x3  }
0x97: {  	_ =	strace s1  }
0x98: {  	s1 =	sld [smem:$0x3FFD];
	_ =	sdelay $0x3  }
0x99: {  	_ =	strace s1  }
0x9a: {  	_ =	strace $0x8FFFFFFF  }
0x9b: {  	s16 =	sld [smem:$0x3FDB];
	_ =	sdelay $0x1  }
0x9c: {  	s17 =	simm.s32 $_scs_section_size  }
0x9d: {  	s3 =	simm.s32 $_size__tile_overlayer_lowered;
	s4 =	simm.s32 $_tile_overlayer_lowered  }
0x9e: {  	s20 =	simm.s32 $0x1BFF;
	s19 =	sshll.u32 s4, $0x1;
	s1 =	sadd.s32 s17, s16  }
0x9f: {  	s5 =	simm.s32 $0x0;
	s18 =	sshll.u32 s3, $0x1;
	s3 =	sadd.s32 s19, s1  }
0xa0: {  	[timem:s5], [sflag:s20] =	dma.local [hbm:s3], s18  }
0xa1: {  	_ =	swait.ge [sflag:s20], s18  }
0xa2: {  	s2 =	ssub.s32 $0x0, s18;
	[sflag:s20] =	ssyncset.done $0x0  }
0xa3: {  	[sflag:s20] =	ssyncadd.s32 s2;
	_ =	sdelay $0x1  }
0xa4: {  	s21 =	simm.s32 $0x1B8B  }
0xa5: {  	_ =	swait.ge [sflag:s21], $0x1  }
0xa6: {  	[sflag:s21] =	ssyncset.done $0x0  }
0xa7: {  	s23 =	simm.s32 $0x1B8E;
	s22 =	sld [smem:$0x3FFE];
	[sflag:s21] =	ssyncadd.s32 $0xFFFFFFFF  }
0xa8: {  	s24 =	simm.s32 $execute0_lowered;
	[smem:$0x3FD2] =	sst s23  }
0xa9: {  	s3 =	sshll.u32 s24, $0x1;
	_ =	strace $0x80000046;
	[dreg:$0x1] =	wrdreg $0xFFFFFFFF  }
0xaa: {  	s25 =	simm.s32 $_size_execute0_lowered;
	s1 =	sadd.s32 s1, s3;
	[dreg:$0x0] =	wrdreg $0x0  }
0xab: {  	s3 =	sshll.u32 s25, $0x1;
	[dreg:$0x2] =	wrdreg s1  }
0xac: {  	[dreg:$0x3] =	wrdreg s3  }
0xad: {  	[dreg:$0x4] =	wrdreg $0xC0  }
0xae: {  	_ =	task [dreg:s5], $0x5FFFF  }
0xaf: {  	[dreg:$0x1] =	wrdreg $0xFFFFFFFF  }
0xb0: {  	[dreg:$0x0] =	wrdreg $0x60  }
0xb1: {  	[dreg:$0x2] =	wrdreg s14  }
0xb2: {  	[dreg:$0x3] =	wrdreg s22  }
0xb3: {  	[dreg:$0x4] =	wrdreg $0x9  }
0xb4: {  	_ =	task.clear_ibuf [dreg:s5], $0x5FFFF;
	_ =	strace $0x90000046  }
0xb5: {  	s26 =	simm.s32 $0x9;
	_ =	strace $0x80000048  }
0xb6: {  	_ =	swait.ge [sflag:s26], $0x1  }
0xb7: {  	[sflag:s26] =	ssyncadd.s32 $0xFFFFFFFF  }
0xb8: {  	_ =	strace $0x90000048  }
0xb9: {  	_ =	sfence  }
0xba: {  	s28 =	sld [smem:$0x0];
	_ =	sdelay $0x1  }
0xbb: {  	s29 =	srdreg.scid  }
0xbc: {  	s30 =	sshll.u32 s29, $0xD;
	s31 =	sshrl.u32 s29, $0x2  }
0xbd: {  	s2 =	sand.u32 $0x4000, s30;
	s1 =	sand.u32 $0x1, s29;
	s0 =	sadd.s32 s31, s28  }
0xbe: {  	s1 =	sor.u32 s2, s1;
	s0 =	sshll.u32 s0, $0x11  }
0xbf: {  	s0 =	sor.u32 s0, s1  }
0xc0: {  	s0 =	sadd.s32 $0x8F2B, s0  }
0xc1: {  	[sflag:s0] =	ssyncadd.remote.s32 $0x1  }
0xc2: {  	_ =	sfence.sel $0xFFFF  }
0xc3: {  	[dreg:$0x0] =	wrdreg $0xFFFFFFFF;
	(pc) =	sbr.abs _section_cstart, $3  }
0xc4: {  	[dreg:$0x1] =	wrdreg $0xFFFFFFFF  }
0xc5: {  	_ =	task.clear_ibuf [dreg:s5], $0x2FFFF;
	_ =	strace $0x9FFFFFFF  }
0xc6: {  	(tm) =	ssettm $0x7FFFFFFF  }
0xc7: {  	_ =	shalt  }
tec
execute0_lowered:
.L_overlay_start_1:
0x0: {  	(tag) =	ssettag $0x1  }
0x1: {  	s1 =	rddreg [dreg:$0x0]  }
0x2: {  	s2 =	rddreg [dreg:$0x1];
	_ =	strace $0x80000047;
	s4 =	simm.s32 $0x1  }
0x3: {  	v1 =	vimm.s32 $0xFFFFFFFF;
	[sflag:s4] =	ssyncpa.u1 $0x0  }
0x4: {  	[tilespmem:$0x10] =	vst v1  }
0x5: {  	v0 =	vimm.f32 $0.0e+00;
	[tilespmem:$0x20] =	vst v1  }
0x6: {  	[tilespmem:$0x30] =	vst v0  }
0x7: {  	s0 =	simm.s32 $0x2;
	s6 =	simm.s32 $0x7;
	[tilespmem:$0x40] =	vst v0  }
0x8: {  	s26 =	stileid.u32;
	s7 =	simm.s32 $0x8;
	s31 =	simm.s32 $0x9;
	[tilespmem:$0x50] =	vst v0  }
0x9: {  	s14 =	simm.s32 $0x0;
	s15 =	simm.s32 $0x100;
	s17 =	simm.s32 $0x4FF;
	[tilespmem:$0x60] =	vst v1  }
0xa: {  	s18 =	simm.s32 $0x10;
	s19 =	simm.s32 $0x2500;
	s20 =	simm.s32 $0xF;
	[tilespmem:$0x70] =	vst v1  }
0xb: {  	s21 =	simm.s32 $0x50;
	s22 =	simm.s32 $0x10FF;
	s23 =	simm.s32 $0x20;
	[tilespmem:$0x80] =	vst v1  }
0xc: {  	s24 =	simm.s32 $0x30;
	s25 =	simm.s32 $0x20FF;
	s30 =	simm.s32 $0x0;
	v1 =	vimm.s32 $0x0;
	[tilespmem:$0xB0] =	vst v0  }
.Ltmp0:
0xd: {  	s29 =	simm.s32 $0x0;
	s5 =	sadd.s32 $0x800, s2;
	[tilespmem:$0x90] =	vst v1;
	(pc) =	sbr.rel .LBB2_1-.Ltmp0, $4  }
0xe: {  	s8 =	sshll.u32 s26, $0xA;
	s10 =	sshll.u32 s26, $0x1;
	[tilespmem:$0xA0] =	vst v1;
	[sflag:s0] =	ssyncpa.u1 $0x0  }
0xf: {  	s12 =	sshllo.u32 s26, $0x1;
	s26 =	simm.s32 $0x80;
	[sflag:s6] =	ssyncpa.u1 $0x0  }
0x10: {  	vm0 =	vmmov $0xffff;
	v2 =	vlaneseq.u32;
	s9 =	sadd.s32 $0x400, s8;
	s11 =	sor.u32 $0x81, s10;
	[sflag:s7] =	ssyncpa.u1 $0x0  }
0x11: {  	vm1 =	vmxor vm1, vm1;
	vm2 =	vmmov $0x1;
	vm3 =	vcmask $0x3F3C;
	s13 =	sor.u32 $0x80, s10;
	s28 =	smov.u32 s8;
	[sflag:s31] =	ssyncpa.u1 $0x0  }
.LBB2_3:
0x12: {  	s0 =	sshrl.u32 s28, $0x3;
	s2 =	rddreg [dreg:$0x1]  }
0x13: {  	s31 =	sand.u32 $0x7, s28;
	s0 =	sadd.s32 s2, s0  }
0x14: {  	[tilespmem:s15], [sflag:$0x7] =	stream.linear.gather [hbm4b:s0+s31], $0x400, $0x38;
	[tilespmem:$0x2520] =	vst v63  }
.LBB2_4:
0x15: {  	s0 =	sadd.s32 $0x400, s28  }
0x16: {  	s2 =	smov.u32 s8;
	s29 =	sadd.s32 $0x1, s29;
	p0 =	slt.s32 s0, s9  }
0x17: {  	s2 =	smov.u32 @p0 s0;
	p0 =	sne.s32 s29, $0x4  }
.Ltmp1:
0x18: {  	_ = 	snop;
	(pc) =	sbr.rel @!p0 .LBB2_13-.Ltmp1, $2  }
0x19: {  	_ =	sdelay $0x2  }
0x1a: {  	s30 =	smov.u32 s28;
	s28 =	smov.u32 s2  }
.LBB2_1:
0x1b: {  	p0 =	sgt.s32 s29, $0x1  }
.Ltmp2:
0x1c: {  	_ = 	snop;
	(pc) =	sbr.rel @p0 .LBB2_11-.Ltmp2, $1  }
0x1d: {  	_ =	sdelay $0x3  }
0x1e: {  	p0 =	seq.s32 s29, $0x0  }
.Ltmp3:
0x1f: {  	_ = 	snop;
	(pc) =	sbr.rel @p0 .LBB2_3-.Ltmp3, $1  }
0x20: {  	_ =	sdelay $0x3  }
0x21: {  	_ =	swait.ge [sflag:s6], $0x400  }
0x22: {  	[sflag:s6] =	ssyncset.done $0x0  }
0x23: {  	[sflag:s6] =	ssyncadd.s32 $0xFFFFFC00;
	(ifvalue) =	ssetifvalue $0xFFFFFFFF;
	v3 =	vld.msk [tilespmem:s15+$0x0 ss:$0x1], $0xffff;
	_ =	sdelay $0x4  }
0x24: {  	v4 =	vperm.xlane v3, v1  }
0x25: {  	vm4 =	vlt.u32 v3, $0x4E2000  }
0x26: {  	v3 =	vnsel vm4, $0xFFFFFFFE, v3;
	vm4 =	vlt.u32 v4, $0x4E2000  }
0x27: {  	[tilespmem:$0x70] =	vst v3;
	v3 =	vnsel vm4, $0xFFFFFFFE, v4  }
0x28: {  	s16 =	simm.s32 $0x4F0;
	[tilespmem:$0x80] =	vst v3  }
0x29: {  	v3 =	vld.msk [tilespmem:s16+$0x0 ss:$0x1], $0xffff;
	_ =	sdelay $0x4  }
0x2a: {  	(xrf1) =	vunique.msk.u32 $0xffff, v3;
	_ =	sdelay $0xd  }
0x2b: {  	v4 =	vimm.s32 $0xFFFFFFFF;
	v5, _, _ =	vpop (xrf1)  }
0x2c: {  	vm5 =	vne.s32 v3, v4;
	vm4 =	veq.s32 v5, v2  }
0x2d: {  	vm6 =	vlt.u32 v3, $0x4E2000;
	vm4 =	vmand vm5, vm4  }
0x2e: {  	vm4 =	vmand vm6, vm4  }
0x2f: {  	v4 =	vnsel vm4, $0xFFFFFFFF, v3;
	_ =	sdelay $0x3  }
0x30: {  	s0 =	simm.s32 $0x10F0;
	(ifvalue) =	ssetifvalue $0xFFFFFFFF  }
0x31: {  	v3 =	vperm.xlane v3, v1;
	[tilespmem:s0], [sflag:$0x8] =	stream.indirect_vreg.gather [hbm4b:s1+s14], $0x1, v4, vm0, $0x4038;
	v4 =	vnsel vm6, $0xFFFFFFFE, v4;
	[tilespmem:$0x2520] =	vst v63  }
0x32: {  	s2 =	simm.s32 $0x0;
	s3 =	simm.s32 $0x4E0;
	[tilespmem:s16+$0x0] =	vst v4  }
.LBB2_6:
0x33: {  	v4 =	vld.msk [tilespmem:s3+$0x0 ss:$0x1], $0xffff;
	s2 =	sadd.s32 $0x10, s2;
	v5 =	vmov v3;
	s16 =	smov.u32 s3  }
0x34: {  	p0 =	slt.u32 s2, $0x3F0;
	_ =	sdelay $0x4  }
0x35: {  	v3 =	vperm.xlane v4, v1;
	(xrf1) =	vunique.msk.u32 $0xffff, v4;
	_ =	sdelay $0xd  }
0x36: {  	v6, _, _ =	vpop (xrf1)  }
0x37: {  	vm5 =	vne.s32 v4, v5;
	vm4 =	veq.s32 v6, v2  }
0x38: {  	vm6 =	vlt.u32 v4, $0x4E2000;
	vm4 =	vmand vm5, vm4  }
0x39: {  	vm4 =	vmand vm6, vm4  }
0x3a: {  	v4 =	vnsel vm4, $0xFFFFFFFF, v4  }
.Ltmp4:
0x3b: {  	v5 =	vnsel vm6, $0xFFFFFFFE, v4;
	(pc) =	sbr.rel @p0 .LBB2_6-.Ltmp4, $3  }
0x3c: {  	_ =	sdelay $0x1  }
0x3d: {  	s3 =	sadd.s32 $0xFFFFFFF0, s3;
	s0 =	sadd.s32 $0xFFFFFFF0, s0;
	(ifvalue) =	ssetifvalue $0xFFFFFFFF  }
0x3e: {  	[tilespmem:s0], [sflag:$0x8] =	stream.indirect_vreg.gather [hbm4b:s1+s14], $0x1, v4, vm0, $0x4038;
	[tilespmem:s16+$0x0] =	vst v5  }
.Ltmp5:
0x3f: {  	(pc) =	sbr.rel .LBB2_4-.Ltmp5, $4  }
0x40: {  	_ = 	snop  }
0x41: {  	s0 =	sshrl.u32 s30, $0x3  }
0x42: {  	s2 =	simm.s32 $0x1500;
	s0 =	sadd.s32 s5, s0  }
0x43: {  	[tilespmem:s2], [sflag:$0x8] =	stream.linear.gather [hbm:s0], $0x400, $0x38;
	[tilespmem:$0x2520] =	vst v63  }
.LBB2_11:
0x44: {  	p0 =	seq.s32 s29, $0x2  }
.Ltmp6:
0x45: {  	_ = 	snop;
	(pc) =	sbr.rel @!p0 .LBB2_12-.Ltmp6, $1  }
0x46: {  	_ =	sdelay $0x3  }
0x47: {  	_ =	swait.ge [sflag:s7], $0x800  }
0x48: {  	[sflag:s7] =	ssyncset.done $0x0  }
0x49: {  	[sflag:s7] =	ssyncadd.s32 $0xFFFFF800  }
0x4a: {  	[spmem:s11] =	stream.linear.scatter [tilespmem:s17], [sflag:$0x1], $0x1, $0x38;
	[tilespmem:$0x2520] =	vst v63  }
0x4b: {  	_ =	swait.ge [sflag:s4], $0x1  }
0x4c: {  	[sflag:s4] =	ssyncset.done $0x0  }
0x4d: {  	[sflag:s4] =	ssyncadd.s32 $0xFFFFFFFF  }
0x4e: {  	v4 =	vld [tilespmem:$0x10]  }
0x4f: {  	v5 =	vld [tilespmem:$0x70]  }
0x50: {  	v3 =	vld [tilespmem:$0x80];
	_ =	sdelay $0x2  }
0x51: {  	(v2sf) =	vpush v4, $0x0  }
0x52: {  	(v2sf) =	vpush v5, $0x0  }
0x53: {  	(v2sf) =	vpush v3, $0x0;
	_ =	sdelay $0xc  }
0x54: {  	s0 =	spop (v2sf)  }
0x55: {  	s2 =	spop (v2sf)  }
0x56: {  	s30 =	spop (v2sf)  }
0x57: {  	p0 =	seq.s32 s0, s2;
	p1 =	seq.s32 s30, s0  }
0x58: {  	p1 =	por p0, p1  }
0x59: {  	v4 =	vpsel p1, $0xFFFFFFFF, v4  }
0x5a: {  	[tilespmem:s18+$0x0] =	vst.msk $0x1, v4  }
0x5b: {  	v4 =	vld [tilespmem:$0x30]  }
0x5c: {  	v5 =	vld [tilespmem:$0x1500]  }
0x5d: {  	v6 =	vld [tilespmem:$0x40];
	_ =	sdelay $0x3  }
0x5e: {  	vm4 =	vmmov vm1;
	v5 =	vadd.f32 v5, v4  }
0x5f: {  	vm5 =	vmmov vm2;
	s31 =	simm.s32 $0x1500;
	vm4 =	vmmov @p0 vm2;
	v4 =	vadd.f32 v6, v4  }
0x60: {  	vm5 =	vmmov @p1 vm1;
	[tilespmem:s31+$0x0] =	vst.msk vm4, v5  }
0x61: {  	[tilespmem:s19+$0x0] =	vst.msk vm5, v4  }
0x62: {  	v4 =	vld [tilespmem:$0x10F0];
	_ =	sdelay $0x3  }
0x63: {  	v5 =	vimm.f32 $0.0e+00  }
0x64: {  	v4 =	vshift.insert v4, v5, s20;
	_ =	sdelay $0x1  }
0x65: {  	[tilespmem:s21+$0x0] =	vst.msk $0x1, v4  }
0x66: {  	[tilespmem:s22+$0x0] =	vst.msk $0x1, v5  }
0x67: {  	v4 =	vld [tilespmem:$0x4F0];
	_ =	sdelay $0x4  }
0x68: {  	v4 =	vshift.insert v4, v1, s20;
	_ =	sdelay $0x1  }
0x69: {  	[tilespmem:s23+$0x0] =	vst.msk $0x1, v4  }
0x6a: {  	s16 =	simm.s32 $0x100;
	v6 =	vld [tilespmem:s31+$0x0]  }
0x6b: {  	v7 =	vld [tilespmem:s16+$0x0];
	_ =	sdelay $0x3  }
0x6c: {  	v5 =	vadd.f32 v6, v5  }
0x6d: {  	vm4 =	vne.s32 v7, $0xFFFFFFFF  }
0x6e: {  	(xrf2) =	vadd.seg.scan.f32 vm4, v5;
	_ =	sdelay $0x3  }
0x6f: {  	s0 =	simm.s32 $0xD00;
	v5 =	vperm.xlane v4, v1  }
0x70: {  	v6 =	vld [tilespmem:s0+$0x0]  }
0x71: {  	vm5 =	veq.s32 v7, v3;
	vm6 =	veq.s32 v7, v5  }
0x72: {  	vm7 =	vgt.u32 v7, $0xFFFFFFFD;
	vm6 =	vmor vm6, vm5  }
0x73: {  	vm6 =	vmor vm6, vm7  }
0x74: {  	v9 =	vld [tilespmem:$0xA0];
	v7 =	vsel vm6, $0xFFFFFFFF, v7  }
0x75: {  	v10 =	vld [tilespmem:$0x90];
	v6 =	vsel vm5, $0x0, v6;
	v8, _, _ =	vpop (xrf2)  }
0x76: {  	v6 =	vadd.f32 v8, v6  }
0x77: {  	s2 =	simm.s32 $0x1D00  }
0x78: {  	vm4 =	vmand vm4, vm3;
	[tilespmem:s2+$0x0] =	vst v6;
	(ifvalue) =	ssetifvalue $0xFFFFFFFF  }
0x79: {  	vm6 =	veq.s32 v9, $0x1;
	[hbm4b:s1+s14] =	stream.indirect_vreg.scatter [tilespmem:s2], [sflag:$0x2], $0x1, v7, vm0, $0x4038;
	v7 =	vsel vm4, $0x0, v8;
	[tilespmem:$0x2520] =	vst v63  }
0x7a: {  	s3 =	simm.s32 $0x0;
	s16 =	simm.s32 $0x110;
	vm4 =	vmor vm6, vm5;
	v6 =	vsel vm5, v8, v10;
	v7 =	vshift.insert v7, v0, s20  }
.LBB2_9:
0x7b: {  	v8 =	vld [tilespmem:s16+$0x0];
	s31 =	sadd.s32 $0x10, s31  }
0x7c: {  	s0 =	sadd.s32 $0x10, s0;
	v9 =	vld [tilespmem:s31+$0x0]  }
0x7d: {  	s3 =	sadd.s32 $0x10, s3;
	v10 =	vld [tilespmem:s0+$0x0]  }
0x7e: {  	p0 =	slt.u32 s3, $0x3F0;
	_ =	sdelay $0x2  }
0x7f: {  	v7 =	vadd.f32 v9, v7  }
0x80: {  	vm5 =	vne.s32 v8, $0xFFFFFFFF  }
0x81: {  	vm6 =	vmand vm5, vm3;
	(xrf2) =	vadd.seg.scan.f32 vm5, v7;
	_ =	sdelay $0x5  }
0x82: {  	vm7 =	veq.s32 v8, v5;
	vm5 =	veq.s32 v8, v3  }
0x83: {  	vm8 =	vgt.u32 v8, $0xFFFFFFFD;
	vm4 =	vmor vm4, vm5;
	vm7 =	vmor vm7, vm5  }
0x84: {  	vm7 =	vmor vm7, vm8  }
0x85: {  	v8 =	vsel vm7, $0xFFFFFFFF, v8  }
.Ltmp7:
0x86: {  	v7 =	vsel vm5, $0x0, v10;
	v9, _, _ =	vpop (xrf2);
	(pc) =	sbr.rel @p0 .LBB2_9-.Ltmp7, $4  }
0x87: {  	v6 =	vsel vm5, v9, v6;
	v10 =	vadd.f32 v9, v7;
	v7 =	vsel vm6, $0x0, v9  }
0x88: {  	s2 =	sadd.s32 $0x10, s2;
	v7 =	vshift.insert v7, v0, s20  }
0x89: {  	s16 =	sadd.s32 $0x10, s16;
	[tilespmem:s2+$0x0] =	vst v10;
	(ifvalue) =	ssetifvalue $0xFFFFFFFF  }
0x8a: {  	[hbm4b:s1+s14] =	stream.indirect_vreg.scatter [tilespmem:s2], [sflag:$0x2], $0x1, v8, vm0, $0x4038;
	[tilespmem:$0x2520] =	vst v63  }
0x8b: {  	v3 =	vld [tilespmem:$0x20F0];
	_ =	sdelay $0x4  }
0x8c: {  	v3 =	vshift.insert v3, v0, s20;
	_ =	sdelay $0x1  }
0x8d: {  	[tilespmem:s24+$0x0] =	vst.msk $0x1, v3  }
0x8e: {  	v3 =	vsel vm4, $0x1, v1;
	[tilespmem:$0x90] =	vst v6  }
0x8f: {  	[tilespmem:$0xA0] =	vst v3  }
0x90: {  	[spmem:s12] =	stream.linear.scatter [tilespmem:s25], [sflag:$0x1], $0x1, $0x38;
	[tilespmem:$0x2520] =	vst v63  }
0x91: {  	v3 =	vmctz.xlane vm4;
	_ =	swait.ge [sflag:s4], $0x1  }
0x92: {  	(v2sf) =	vpush v4, $0x0  }
0x93: {  	(v2sf) =	vpush v3, $0x0;
	_ =	sdelay $0xd  }
0x94: {  	s0 =	spop (v2sf)  }
0x95: {  	s2 =	spop (v2sf)  }
0x96: {  	[sflag:s4] =	ssyncset.done $0x0;
	p0 =	sne.s32 s30, s0;
	p1 =	slt.s32 s2, $0xF  }
0x97: {  	[sflag:s4] =	ssyncadd.s32 $0xFFFFFFFF;
	v3 =	vimm.s32 @!p0 $0xFFFFFFFF;
	s2 =	simm.s32 @!p1 $0xF  }
0x98: {  	[tilespmem:$0x80] =	vst @!p0 v3;
	s31 =	sadd.s32 $0x90, s2  }
0x99: {  	[spmem:s10] =	stream.linear.scatter [tilespmem:s31], [sflag:$0x1], $0x1, $0x38;
	[tilespmem:$0x2520] =	vst v63  }
0x9a: {  	_ =	swait.ge [sflag:s4], $0x1  }
0x9b: {  	[sflag:s4] =	ssyncset.done $0x0  }
0x9c: {  	[sflag:s4] =	ssyncadd.s32 $0xFFFFFFFF  }
0x9d: {  	[spmem:s13] =	stream.linear.scatter [tilespmem:s26], [sflag:$0x1], $0x1, $0x38;
	[tilespmem:$0x2520] =	vst v63  }
0x9e: {  	_ =	swait.ge [sflag:s4], $0x1  }
0x9f: {  	[sflag:s4] =	ssyncset.done $0x0  }
0xa0: {  	[sflag:s4] =	ssyncadd.s32 $0xFFFFFFFF;
	(ifvalue) =	ssetifvalue $0xFFFFFFFF;
	v3 =	vld [tilespmem:$0x10];
	_ =	sdelay $0x3  }
.Ltmp8:
0xa1: {  	_ = 	snop;
	(pc) =	sbr.rel .LBB2_4-.Ltmp8, $3  }
0xa2: {  	_ =	sdelay $0x1  }
0xa3: {  	(ifvalue) =	ssetifvalue $0xFFFFFFFF  }
0xa4: {  	[hbm4b:s1+s14] =	stream.indirect_vreg.scatter [tilespmem:s19], [sflag:$0x9], $0x1, v3, vm0, $0x4038;
	[tilespmem:$0x2520] =	vst v63  }
.LBB2_12:
0xa5: {  	s0 =	simm.s32 $0x2  }
0xa6: {  	_ =	swait.ge [sflag:s0], $0x400  }
0xa7: {  	[sflag:s0] =	ssyncset.done $0x0  }
0xa8: {  	s31 =	simm.s32 $0x9;
	[sflag:s0] =	ssyncadd.s32 $0xFFFFFC00  }
0xa9: {  	_ =	swait.ge [sflag:s31], $0x10  }
0xaa: {  	[sflag:s31] =	ssyncset.done $0x0  }
0xab: {  	[sflag:s31] =	ssyncadd.s32 $0xFFFFFFF0  }
.LBB2_13:
0xac: {  	_ =	sfence.sel $0x180000  }
0xad: {  	s0 =	simm.s32 $0x7;
	[bflag:$0x0] =	sbarrier.arrive $0xFFFF  }
0xae: {  	s26 =	simm.s32 $0x8;
	[sflag:s0] =	ssyncpa.u1 $0x1  }
0xaf: {  	s28 =	simm.s32 $0x9;
	[sflag:s26] =	ssyncpa.u1 $0x1  }
0xb0: {  	[sflag:s28] =	ssyncpa.u1 $0x1  }
0xb1: {  	_ =	sfence.stream.spmem  }
0xb2: {  	s29 =	simm.s32 $0x3;
	[bflag:$0x0] =	sbarrier.arrive $0xFFFF  }
0xb3: {  	s30 =	simm.s32 $0x4;
	[sflag:s29] =	ssyncpa.u1 $0x1  }
0xb4: {  	s31 =	simm.s32 $0x3C;
	s2 =	stileid.u32;
	[sflag:s30] =	ssyncpa.u1 $0x1  }
0xb5: {  	p0 =	sne.s32 s2, $0x0;
	[sflag:s31] =	ssyncpa.u1 $0x1  }
0xb6: {  	s0 =	simm.s32 @p0 $0x1;
	_ =	sfence @p0  }
0xb7: {  	[sflag:s0] =	ssyncpa.u1 @p0 $0x1;
	s0 =	simm.s32 @p0 $0x2  }
0xb8: {  	[sflag:s0] =	ssyncpa.u1 @p0 $0x1  }
0xb9: {  	_ =	strace @p0 $0x90000047  }
0xba: {  	[bflag:$0x2] =	sbarrier.arrive @p0 $0xFFFF  }
0xbb: {  	_ =	shalt @p0  }
.LBB2_14:
0xbc: {  	_ =	sfence.stream.spmem;
	s0 =	simm.s32 $0x5  }
0xbd: {  	s2 =	simm.s32 $0x80;
	s3 =	simm.s32 $0xC0;
	[sflag:s0] =	ssyncpa.u1 $0x0  }
0xbe: {  	[tilespmem:s3], [sflag:$0x5] =	stream.linear.gather [spmem:s2], $0x20, $0x38;
	[tilespmem:$0x2520] =	vst v63  }
0xbf: {  	s2 =	simm.s32 $0x0;
	s3 =	simm.s32 $0xE0  }
0xc0: {  	[tilespmem:s3], [sflag:$0x5] =	stream.linear.gather [spmem:s2], $0x20, $0x38;
	[tilespmem:$0x2520] =	vst v63  }
.Ltmp9:
0xc1: {  	_ = 	snop;
	(pc) =	sbr.rel .LBB2_15-.Ltmp9, $4  }
0xc2: {  	_ =	swait.ge [sflag:s0], $0x40  }
0xc3: {  	[sflag:s0] =	ssyncset.done $0x0  }
0xc4: {  	s31 =	simm.s32 $0x6;
	[sflag:s0] =	ssyncadd.s32 $0xFFFFFFC0  }
0xc5: {  	s4 =	simm.s32 $0x0;
	[sflag:s31] =	ssyncpa.u1 $0x0  }
.LBB2_20:
0xc6: {  	p0 =	sgt.u32 s0, $0x4E1FFF  }
0xc7: {  	s5 =	sshrl.u32 @!p0 s0, $0x3  }
0xc8: {  	s0 =	sand.u32 @!p0 $0x7, s0;
	s6 =	simm.s32 @!p0 $0xB0;
	s5 =	sadd.s32 @!p0 s1, s5  }
0xc9: {  	[tilespmem:s6], [sflag:$0x6] =	stream.linear.gather @!p0 [hbm4b:s5+s0], $0x1, $0x38;
	[tilespmem:$0x2520] =	vst v63  }
0xca: {  	s0 =	simm.s32 @!p0 $0x6  }
0xcb: {  	_ =	swait.ge @!p0 [sflag:s0], $0x1  }
0xcc: {  	[sflag:s0] =	ssyncset.done @!p0 $0x0  }
0xcd: {  	[sflag:s0] =	ssyncadd.s32 @!p0 $0xFFFFFFFF  }
0xce: {  	v2 =	vmov @!p0 s4;
	v1 =	vld.msk @!p0 [tilespmem:$0xB0], $0x1;
	_ =	sdelay $0x3  }
0xcf: {  	s0 =	simm.s32 @!p0 $0xE0  }
0xd0: {  	[tilespmem:v2+s0+$0x0], v1 =	vst.idx.ret.add.f32.msk @!p0 $0x1, v1  }
0xd1: {  	[tilespmem:s2+$0xC0] =	vst.msk $0x1, v0  }
0xd2: {  	v0 =	vld.msk [tilespmem:s4+$0xE0], $0x1;
	_ =	sdelay $0x4  }
0xd3: {  	[tilespmem:s2+$0xE0] =	vst.msk $0x1, v0;
	s2 =	sadd.s32 $0x1, s2  }
.LBB2_22:
0xd4: {  	s4 =	sadd.s32 $0x1, s4  }
0xd5: {  	p0 =	sne.s32 s4, $0x20  }
.Ltmp10:
0xd6: {  	_ = 	snop;
	(pc) =	sbr.rel @!p0 .LBB2_23-.Ltmp10, $1  }
0xd7: {  	_ =	sdelay $0x3  }
.LBB2_15:
0xd8: {  	v0 =	vld.msk [tilespmem:s4+$0xC0], $0x1;
	_ =	sdelay $0x4  }
0xd9: {  	(v2sf) =	vpush v0, $0x0;
	_ =	sdelay $0xe  }
0xda: {  	s0 =	spop (v2sf)  }
0xdb: {  	p0 =	seq.s32 s0, $0xFFFFFFFF  }
.Ltmp11:
0xdc: {  	_ = 	snop;
	(pc) =	sbr.rel @p0 .LBB2_22-.Ltmp11, $1  }
0xdd: {  	_ =	sdelay $0x3  }
0xde: {  	p0 =	slt.s32 s2, $0x1  }
.Ltmp12:
0xdf: {  	_ = 	snop;
	(pc) =	sbr.rel @p0 .LBB2_20-.Ltmp12, $1  }
0xe0: {  	_ =	sdelay $0x3  }
0xe1: {  	s5 =	simm.s32 $0xC0;
	p0 =	por $0x0, $0x0  }
0xe2: {  	v1 =	vld.msk @!p0 [tilespmem:s5+$0x0], $0x1;
	_ =	sdelay $0x4  }
0xe3: {  	(v2sf) =	vpush @!p0 v1, $0x0;
	_ =	sdelay $0xd  }
0xe4: {  	p2 =	sne.s32 s2, $0x1  }
.Ltmp13:
0xe5: {  	s6 =	spop @!p0 (v2sf);
	(pc) =	sbr.rel @!p2 .LBB2_19-.Ltmp13, $4  }
0xe6: {  	p1 =	seq.s32 @!p0 s0, s6  }
0xe7: {  	s6 =	simm.s32 $0x0;
	p1 =	por !p1, p0  }
0xe8: {  	s8 =	simm.s32 $0xFFFFFFFF;
	s6 =	simm.s32 @p1 $0xFFFFFFFF  }
0xe9: {  	s7 =	simm.s32 $0x1;
	s6 =	smov.u32 @p0 s8  }
.LBB2_18:
0xea: {  	s8 =	smov.u32 s6;
	p0 =	sne.s32 s6, $0xFFFFFFFF  }
0xeb: {  	s5 =	sadd.s32 $0x1, s5;
	s6 =	smov.u32 s7;
	s7 =	sadd.s32 $0x1, s7  }
0xec: {  	p1 =	sne.s32 s2, s7;
	v1 =	vld.msk @!p0 [tilespmem:s5+$0x0], $0x1;
	_ =	sdelay $0x4  }
0xed: {  	(v2sf) =	vpush @!p0 v1, $0x0;
	_ =	sdelay $0xe  }
.Ltmp14:
0xee: {  	s9 =	spop @!p0 (v2sf);
	(pc) =	sbr.rel @p1 .LBB2_18-.Ltmp14, $4  }
0xef: {  	p2 =	seq.s32 @!p0 s0, s9  }
0xf0: {  	p2 =	por !p2, p0  }
0xf1: {  	s6 =	simm.s32 @p2 $0xFFFFFFFF  }
0xf2: {  	s6 =	smov.u32 @p0 s8  }
.LBB2_19:
0xf3: {  	p0 =	sne.s32 s6, $0xFFFFFFFF  }
.Ltmp15:
0xf4: {  	_ = 	snop;
	(pc) =	sbr.rel @!p0 .LBB2_20-.Ltmp15, $1  }
0xf5: {  	_ =	sdelay $0x3  }
0xf6: {  	v0 =	vld.msk [tilespmem:s4+$0xE0], $0x1;
	v1 =	vmov s6  }
.Ltmp16:
0xf7: {  	_ = 	snop;
	(pc) =	sbr.rel .LBB2_22-.Ltmp16, $2  }
0xf8: {  	_ =	sdelay $0x2  }
0xf9: {  	[tilespmem:v1+s3+$0x0], v0 =	vst.idx.ret.add.f32.msk $0x1, v0  }
.LBB2_23:
0xfa: {  	p0 =	slt.s32 s2, $0x1  }
.Ltmp17:
0xfb: {  	_ = 	snop;
	(pc) =	sbr.rel @p0 .LBB2_27-.Ltmp17, $3  }
0xfc: {  	_ =	sdelay $0x1  }
0xfd: {  	s0 =	simm.s32 $0x6  }
0xfe: {  	[sflag:s0] =	ssyncpa.u1 $0x1;
	s0 =	simm.s32 $0x0  }
0xff: {  	s3 =	simm.s32 $0xC0  }
0x100: {  	v0 =	vld.msk [tilespmem:s3+$0x0], $0x1;
	_ =	sdelay $0x4  }
0x101: {  	(v2sf) =	vpush v0, $0x0;
	_ =	sdelay $0xe  }
0x102: {  	s2 =	sadd.s32 $0xFFFFFFFF, s2;
	s4 =	spop (v2sf)  }
0x103: {  	p1 =	sne.s32 s2, $0x0;
	p0 =	sgt.u32 s4, $0x4E1FFF  }
.Ltmp18:
0x104: {  	s5 =	sshrl.u32 @!p0 s4, $0x3;
	(pc) =	sbr.rel @!p1 .LBB2_26-.Ltmp18, $4  }
0x105: {  	s3 =	simm.s32 $0xE0;
	s4 =	sand.u32 @!p0 $0x7, s4;
	s5 =	sadd.s32 @!p0 s1, s5  }
0x106: {  	[hbm4b:s5+s4] =	stream.linear.scatter @!p0 [tilespmem:s3], [sflag:$0x5], $0x1, $0x38;
	[tilespmem:$0x2520] =	vst v63  }
0x107: {  	s5 =	simm.s32 $0x0  }
0x108: {  	s4 =	simm.s32 $0xC1;
	s5 =	simm.s32 @!p0 $0x4  }
.LBB2_25:
0x109: {  	v0 =	vld.msk [tilespmem:s4+$0x0], $0x1;
	s2 =	sadd.s32 $0xFFFFFFFF, s2;
	s0 =	sadd.s32 s0, s5  }
0x10a: {  	p0 =	sne.s32 s2, $0x0;
	_ =	sdelay $0x3  }
0x10b: {  	(v2sf) =	vpush v0, $0x0;
	_ =	sdelay $0xe  }
.Ltmp19:
0x10c: {  	s6 =	spop (v2sf);
	(pc) =	sbr.rel @p0 .LBB2_25-.Ltmp19, $4  }
0x10d: {  	s5 =	simm.s32 $0x0;
	p1 =	sgt.u32 s6, $0x4E1FFF  }
0x10e: {  	s3 =	sadd.s32 $0x1, s3;
	s5 =	simm.s32 @!p1 $0x4;
	s7 =	sshrl.u32 @!p1 s6, $0x3  }
0x10f: {  	s4 =	sadd.s32 $0x1, s4;
	s6 =	sand.u32 @!p1 $0x7, s6;
	s7 =	sadd.s32 @!p1 s1, s7  }
0x110: {  	[hbm4b:s7+s6] =	stream.linear.scatter @!p1 [tilespmem:s3], [sflag:$0x5], $0x1, $0x38;
	[tilespmem:$0x2520] =	vst v63  }
.LBB2_26:
0x111: {  	s0 =	sadd.s32 s0, s5  }
0x112: {  	s0 =	sshrl.u32 s0, $0x2  }
.LBB2_27:
0x113: {  	s1 =	simm.s32 $0x5  }
0x114: {  	_ =	swait.ge [sflag:s1], s0  }
0x115: {  	s28 =	ssub.s32 $0x0, s0;
	[sflag:s1] =	ssyncset.done $0x0  }
0x116: {  	[sflag:s1] =	ssyncadd.s32 s28  }
0x117: {  	[sflag:s1] =	ssyncpa.u1 $0x1  }
0x118: {  	s29 =	simm.s32 $0x1;
	_ =	sfence  }
0x119: {  	s30 =	simm.s32 $0x2;
	[sflag:s29] =	ssyncpa.u1 $0x1  }
0x11a: {  	[sflag:s30] =	ssyncpa.u1 $0x1  }
0x11b: {  	_ =	strace $0x90000047  }
0x11c: {  	[bflag:$0x2] =	sbarrier.arrive $0xFFFF  }
0x11d: {  	s31 =	rddreg [dreg:$0x2]  }
0x11e: {  	s0 =	sadd.s32 $0x100000, s31  }
0x11f: {  	[sflag:s0] =	ssyncadd.tile.s32 $0x1;
	_ =	shalt  }
.Lfunc_end2:
_tile_overlayer_lowered:
.L_overlay_start_2:
0x120: {  	(tag) =	ssettag $0x2  }
0x121: {  	s0 =	rddreg [dreg:$0x0];
	s2 =	stileid.u32  }
0x122: {  	s1 =	rddreg [dreg:$0x1];
	p0 =	sne.s32 s2, $0x0  }
0x123: {  	s3 =	rddreg [dreg:$0x2];
	[bflag:$0x3] =	sbarrier.arrive $0xFFFF;
	s2 =	simm.s32 @!p0 $0x1C01  }
0x124: {  	[timem:s3], [sflag:s2] =	dma.local @!p0 [hbm:s0], s1  }
0x125: {  	s0 =	simm.s32 @!p0 $0x1  }
0x126: {  	_ =	swait.ge @!p0 [sflag:s0], s1  }
0x127: {  	s1 =	ssub.s32 @!p0 $0x0, s1;
	[sflag:s0] =	ssyncset.done @!p0 $0x0  }
0x128: {  	[sflag:s0] =	ssyncadd.s32 @!p0 s1  }
0x129: {  	[bflag:$0x3] =	sbarrier.arrive $0xFFFF  }
0x12a: {  	_ =	shalt  }

</sc_bundles>
